<compile_context>
chip_gen: v7x
topology: tpu7x:2x2x1
jax: 0.10.2.dev20260603
libtpu: 0.0.44.dev20260713+nightly
codegen_flags: <defaults>
</compile_context>

<pallas_src>
import functools

import jax
import jax.numpy as jnp
from jax import lax
from jax.experimental import pallas as pl
from jax.experimental.pallas import tpu as pltpu
from jax.experimental.pallas import tpu_sc as plsc

N = 10000
E = 320000
D = 128
NPAD = 10240
RPT = NPAD // 16
NW = 32
EPT = E // NW
K = 80
NCH = EPT // K
EPTP = 10000
PADE = EPTP - EPT
K2 = 80
NCH2 = EPTP // K2
NB = 2

_mesh = plsc.VectorSubcoreMesh(core_axis_name="c", subcore_axis_name="s")


def _zero_1d(ref, n):
    def zb(i, c):
        ref[pl.ds(i * 16, 16)] = jnp.zeros((16,), jnp.float32)
        return c

    lax.fori_loop(0, n // 16, zb, 0)




def _sc_hist_body(tab_hbm, row_hbm, col_hbm, out_hbm, shared, use_tab):
    cid = lax.axis_index("c")
    sid = lax.axis_index("s")
    wid = sid * 2 + cid

    def _scoped(rowbuf, colbuf, tabv, accv, stage, redacc, lsem):
        cps = [pltpu.async_copy(col_hbm.at[wid], colbuf, lsem)]
        if use_tab:
            cps.append(pltpu.async_copy(tab_hbm, tabv, lsem))
            cps.append(pltpu.async_copy(row_hbm.at[wid], rowbuf, lsem))
        _zero_1d(accv, NPAD)
        for cp in cps:
            cp.wait()
        ones16 = jnp.full((16,), 1.0, jnp.float32)

        def body(j, c):
            c16 = colbuf[pl.ds(j * 16, 16)]
            if use_tab:
                r16 = rowbuf[pl.ds(j * 16, 16)]
                vals = plsc.load_gather(tabv, [r16])
            else:
                vals = ones16
            plsc.addupdate_scatter(accv, [c16], vals)
            return c

        lax.fori_loop(0, EPT // 16, body, 0)
        pltpu.sync_copy(accv, shared.at[sid])
        plsc.subcore_barrier()
        pltpu.sync_copy(shared.at[:, pl.ds(sid * RPT, RPT)], stage)

        def add_i(i, c2):
            acc16 = stage[0, pl.ds(i * 16, 16)]
            for t in range(1, 16):
                acc16 = acc16 + stage[t, pl.ds(i * 16, 16)]
            redacc[pl.ds(i * 16, 16)] = acc16
            return c2

        lax.fori_loop(0, RPT // 16, add_i, 0)
        pltpu.sync_copy(redacc, out_hbm.at[cid, pl.ds(sid * RPT, RPT)])

    pl.run_scoped(
        _scoped,
        pltpu.VMEM((EPT,), jnp.int32),
        pltpu.VMEM((EPT,), jnp.int32),
        pltpu.VMEM((N,), jnp.float32),
        pltpu.VMEM((NPAD,), jnp.float32),
        pltpu.VMEM((16, RPT), jnp.float32),
        pltpu.VMEM((RPT,), jnp.float32),
        pltpu.SemaphoreType.DMA,
    )


@functools.partial(
    pl.kernel,
    out_type=jax.ShapeDtypeStruct((2, NPAD), jnp.float32),
    mesh=_mesh,
    compiler_params=pltpu.CompilerParams(needs_layout_passes=False),
    scratch_types=[pltpu.VMEM_SHARED((16, NPAD), jnp.float32)],
)
def _sc_degree(col_hbm, dummy_tab, dummy_row, out_hbm, shared):
    _sc_hist_body(dummy_tab, dummy_row, col_hbm, out_hbm, shared, use_tab=False)


@functools.partial(
    pl.kernel,
    out_type=jax.ShapeDtypeStruct((2, NPAD), jnp.float32),
    mesh=_mesh,
    compiler_params=pltpu.CompilerParams(needs_layout_passes=False),
    scratch_types=[pltpu.VMEM_SHARED((16, NPAD), jnp.float32)],
)
def _sc_agg1(tab_hbm, row_hbm, col_hbm, out_hbm, shared):
    _sc_hist_body(tab_hbm, row_hbm, col_hbm, out_hbm, shared, use_tab=True)


@functools.partial(
    pl.kernel,
    out_type=jax.ShapeDtypeStruct((2, NPAD, D), jnp.float32),
    mesh=_mesh,
    compiler_params=pltpu.CompilerParams(use_tc_tiling_on_sc=False),
    scratch_types=[pltpu.VMEM_SHARED((NPAD, D), jnp.float32)],
)
def _sc_agg128(tab_hbm, row_hbm, col_hbm, out_hbm, shared):
    cid = lax.axis_index("c")
    sid = lax.axis_index("s")
    wid = sid * 2 + cid

    def _scoped(rowbuf, colbuf, gbufs, sems, lsem):
        cps = [
            pltpu.async_copy(row_hbm.at[wid], rowbuf, lsem),
            pltpu.async_copy(col_hbm.at[wid], colbuf, lsem),
        ]
        def zb(i, c):
            for cc in range(D // 16):
                gbufs[0][i, pl.ds(cc * 16, 16)] = jnp.zeros((16,), jnp.float32)
            return c

        lax.fori_loop(0, K2, zb, 0)
        zoff = 0
        while zoff < RPT:
            zn = min(K2, RPT - zoff)
            pltpu.sync_copy(
                gbufs[0].at[pl.ds(0, zn)],
                shared.at[pl.ds(sid * RPT + zoff, zn)],
            )
            zoff += zn
        for cp in cps:
            cp.wait()
        plsc.subcore_barrier()

        def _gidx(j):
            return rowbuf.at[j]

        for b in range(NB):
            pltpu.async_copy(tab_hbm.at[_gidx(b)], gbufs[b], sems[b])

        def body(m, c):
            for b in range(NB):
                j = m * NB + b
                pltpu.make_async_copy(
                    tab_hbm.at[_gidx(j)], gbufs[b], sems[b]
                ).wait()
                pltpu.sync_copy(gbufs[b], shared.at[colbuf.at[j]], add=True)

                @pl.when(j + NB < NCH2)
                def _():
                    pltpu.async_copy(tab_hbm.at[_gidx(j + NB)], gbufs[b], sems[b])

            return c

        lax.fori_loop(0, NCH2 // NB, body, 0)
        for jt in range(NCH2 // NB * NB, NCH2):
            b = jt % NB
            pltpu.make_async_copy(tab_hbm.at[_gidx(jt)], gbufs[b], sems[b]).wait()
            pltpu.sync_copy(gbufs[b], shared.at[colbuf.at[jt]], add=True)
        plsc.subcore_barrier()
        pltpu.sync_copy(
            shared.at[pl.ds(sid * RPT, RPT)],
            out_hbm.at[cid, pl.ds(sid * RPT, RPT)],
        )

    pl.run_scoped(
        _scoped,
        pltpu.VMEM((NCH2, K2), jnp.int32),
        pltpu.VMEM((NCH2, K2), jnp.int32),
        [pltpu.VMEM((K2, D), jnp.float32) for _ in range(NB)],
        [pltpu.SemaphoreType.DMA for _ in range(NB)],
        pltpu.SemaphoreType.DMA,
    )




def _tc_mm_body(x_ref, w1_ref, h1_ref):
    h1_ref[...] = jnp.dot(
        x_ref[...], w1_ref[...], preferred_element_type=jnp.float32
    )


_tc_mm = pl.pallas_call(
    _tc_mm_body,
    out_shape=jax.ShapeDtypeStruct((N, D), jnp.float32),
)


def _tc1_body(degp_ref, h1_ref, h1s_ref, dis_ref):
    deg = degp_ref[0, :N] + degp_ref[1, :N] + 1.0
    dis = lax.rsqrt(deg)
    dis_ref[...] = dis
    h1s_ref[...] = h1_ref[...] * dis[:, None]


_tc1 = pl.pallas_call(
    _tc1_body,
    out_shape=[
        jax.ShapeDtypeStruct((N, D), jnp.float32),
        jax.ShapeDtypeStruct((N,), jnp.float32),
    ],
)


def _tc2_body(p_ref, h1s_ref, dis_ref, b1_ref, w2_ref, h2s_ref):
    dis = dis_ref[...]
    acc = p_ref[0, :N, :] + p_ref[1, :N, :] + h1s_ref[...]
    h = jnp.maximum(acc * dis[:, None] + b1_ref[...][None, :], 0.0)
    h2 = jnp.dot(h, w2_ref[...], preferred_element_type=jnp.float32)
    h2s_ref[...] = h2[:, 0] * dis


_tc2 = pl.pallas_call(
    _tc2_body,
    out_shape=jax.ShapeDtypeStruct((N,), jnp.float32),
)


def _tc3_body(q_ref, h2s_ref, dis_ref, b2_ref, out_ref):
    out_ref[...] = (
        dis_ref[...] * (q_ref[0, :N] + q_ref[1, :N] + h2s_ref[...]) + b2_ref[...]
    )


_tc3 = pl.pallas_call(
    _tc3_body,
    out_shape=jax.ShapeDtypeStruct((N,), jnp.float32),
)


def kernel(x, edge_index, W1, b1, W2, b2):
    row2 = edge_index[0].reshape(NW, EPT)
    col2 = edge_index[1].reshape(NW, EPT)
    row3 = row2.reshape(NW, NCH2, K2)
    col3 = col2.reshape(NW, NCH2, K2)
    dummy_tab = jnp.zeros((N,), jnp.float32)

    degp = _sc_degree(col2, dummy_tab, row2)
    h1 = _tc_mm(x, W1)
    h1s, dis = _tc1(degp, h1)
    p = _sc_agg128(h1s, row3, col3)
    h2s = _tc2(p, h1s, dis, b1, W2)
    q = _sc_agg1(h2s, row2, col2)
    out = _tc3(q, h2s, dis, b2)
    return out[:, None]

# --- scband reference (transcript-rebuilt; emitter-appended) ---
"""Pipeline reference for scband-discriminator-18056042512603 (READ-ONLY COPY).

The authoritative reference and input builder live on the scoring server;
editing this copy changes nothing except your own understanding.
"""

import jax, jax.numpy as jnp
import numpy as np

N_NODES = 10000
N_EDGES = 320000
D_IN = 128
D_HID = 128


def gcn_conv(x, edge_index, W, b):
    # Faithful PyG GCNConv: add self-loops, symmetric normalization, linear, scatter-add, bias
    n = x.shape[0]
    loop = jnp.arange(n, dtype=edge_index.dtype)
    ei = jnp.concatenate([edge_index, jnp.stack([loop, loop], axis=0)], axis=1)
    row, col = ei[0], ei[1]
    ones = jnp.ones(ei.shape[1], dtype=x.dtype)
    deg = jax.ops.segment_sum(ones, col, num_segments=n)
    deg_inv_sqrt = jnp.where(deg > 0, 1.0 / jnp.sqrt(deg), 0.0)
    norm = deg_inv_sqrt[row] * deg_inv_sqrt[col]
    h = x @ W
    msg = h[row] * norm[:, None]
    out = jax.ops.segment_sum(msg, col, num_segments=n)
    return out + b


def setup_inputs(seed: int = 0) -> dict:
    key = jax.random.key(seed)
    k1, k2, k3, k4, k5, k6 = jax.random.split(key, 6)
    x = jax.random.normal(k1, (N_NODES, D_IN), dtype=jnp.float32)
    edge_index = jax.random.randint(k2, (2, N_EDGES), 0, N_NODES, dtype=jnp.int32)
    # Glorot-style init for GCN weights
    W1 = jax.random.normal(k3, (D_IN, D_HID), dtype=jnp.float32) * (1.0 / np.sqrt(D_IN))
    b1 = jnp.zeros((D_HID,), dtype=jnp.float32)
    W2 = jax.random.normal(k4, (D_HID, 1), dtype=jnp.float32) * (1.0 / np.sqrt(D_HID))
    b2 = jnp.zeros((1,), dtype=jnp.float32)
    return {"x": x, "edge_index": edge_index, "W1": W1, "b1": b1, "W2": W2, "b2": b2}


def reference(x, edge_index, W1, b1, W2, b2):
    h = gcn_conv(x, edge_index, W1, b1)
    h = jax.nn.relu(h)
    out = gcn_conv(h, edge_index, W2, b2)
    return out

if __name__ == "__main__":
    import jax
    _d = setup_inputs()
    print(jax.jit(kernel)(*tuple(_d.values())))

</pallas_src>

<mosaic_0001>
#map = affine_map<(d0, d1) -> (0, 0)>
#map1 = affine_map<(d0, d1) -> (0, 0, 0)>
module attributes {stable_mosaic.version = 14 : i64} {
  func.func @_sc_agg128(%arg0: i32, %arg1: i32, %arg2: memref<10000x128xf32, #tpu.memory_space<hbm>>, %arg3: memref<32x125x80xi32, #tpu.memory_space<hbm>>, %arg4: memref<32x125x80xi32, #tpu.memory_space<hbm>>, %arg5: memref<2x10240x128xf32, #tpu.memory_space<hbm>>, %arg6: memref<10240x128xf32, #tpu.memory_space<vmem_shared>>) attributes {dimension_semantics = [#tpu.dimension_semantics<core_parallel>, #tpu.dimension_semantics<subcore_parallel>], iteration_bounds = array<i64: 2, 16>, scalar_prefetch = 0 : i64, scratch_operands = 1 : i64, tpu.core_type = #tpu.core_type<sc_vector_subcore>, window_params = [{transform_indices = #map}, {transform_indices = #map1}, {transform_indices = #map1}, {transform_indices = #map1}]} {
    %mul3A = arith.constant 2 : i32
    %mul3A_0 = arith.muli %arg1, %mul3A : i32
    %add3A = arith.addi %mul3A_0, %arg0 : i32
    "tpu.region"() ({
      %run_scoped3A = memref.alloca() : memref<125x80xi32, #tpu.memory_space<vmem>>
      %run_scoped3A_1 = memref.alloca() : memref<125x80xi32, #tpu.memory_space<vmem>>
      %run_scoped3A_2 = memref.alloca() : memref<80x128xf32, #tpu.memory_space<vmem>>
      %run_scoped3A_3 = memref.alloca() : memref<80x128xf32, #tpu.memory_space<vmem>>
      %run_scoped3A_4 = tpu.sem_alloc : memref<!tpu.dma_semaphore, #tpu.memory_space<semaphore_mem>>
      %run_scoped3A_5 = tpu.sem_alloc : memref<!tpu.dma_semaphore, #tpu.memory_space<semaphore_mem>>
      %run_scoped3A_6 = tpu.sem_alloc : memref<!tpu.dma_semaphore, #tpu.memory_space<semaphore_mem>>
      %dma_start3A = arith.constant 0 : i32
      %dma_start3A_7 = arith.constant 0 : i32
      %dma_start3A_8 = tpu.memref_slice %arg3[%add3A, %dma_start3A, %dma_start3A_7] : memref<32x125x80xi32, #tpu.memory_space<hbm>> -> memref<1x125x80xi32, #tpu.memory_space<hbm>>
      %dma_start3A_9 = tpu.memref_squeeze %dma_start3A_8 : memref<1x125x80xi32, #tpu.memory_space<hbm>> -> memref<125x80xi32, #tpu.memory_space<hbm>>
      %dma_start3A_10 = arith.constant 0 : i32
      %dma_start3A_11 = arith.constant 0 : i32
      %dma_start3A_12 = tpu.memref_slice %arg3[%add3A, %dma_start3A_10, %dma_start3A_11] : memref<32x125x80xi32, #tpu.memory_space<hbm>> -> memref<1x125x80xi32, #tpu.memory_space<hbm>>
      %dma_start3A_13 = tpu.memref_squeeze %dma_start3A_12 : memref<1x125x80xi32, #tpu.memory_space<hbm>> -> memref<125x80xi32, #tpu.memory_space<hbm>>
      tpu.enqueue_dma source(%dma_start3A_13 : memref<125x80xi32, #tpu.memory_space<hbm>>) target(%run_scoped3A : memref<125x80xi32, #tpu.memory_space<vmem>>) target_semaphore(%run_scoped3A_6 : memref<!tpu.dma_semaphore, #tpu.memory_space<semaphore_mem>>)
      %dma_start3A_14 = arith.constant 0 : i32
      %dma_start3A_15 = arith.constant 0 : i32
      %dma_start3A_16 = tpu.memref_slice %arg4[%add3A, %dma_start3A_14, %dma_start3A_15] : memref<32x125x80xi32, #tpu.memory_space<hbm>> -> memref<1x125x80xi32, #tpu.memory_space<hbm>>
      %dma_start3A_17 = tpu.memref_squeeze %dma_start3A_16 : memref<1x125x80xi32, #tpu.memory_space<hbm>> -> memref<125x80xi32, #tpu.memory_space<hbm>>
      %dma_start3A_18 = arith.constant 0 : i32
      %dma_start3A_19 = arith.constant 0 : i32
      %dma_start3A_20 = tpu.memref_slice %arg4[%add3A, %dma_start3A_18, %dma_start3A_19] : memref<32x125x80xi32, #tpu.memory_space<hbm>> -> memref<1x125x80xi32, #tpu.memory_space<hbm>>
      %dma_start3A_21 = tpu.memref_squeeze %dma_start3A_20 : memref<1x125x80xi32, #tpu.memory_space<hbm>> -> memref<125x80xi32, #tpu.memory_space<hbm>>
      tpu.enqueue_dma source(%dma_start3A_21 : memref<125x80xi32, #tpu.memory_space<hbm>>) target(%run_scoped3A_1 : memref<125x80xi32, #tpu.memory_space<vmem>>) target_semaphore(%run_scoped3A_6 : memref<!tpu.dma_semaphore, #tpu.memory_space<semaphore_mem>>)
      %scan3A = arith.constant 0 : i32
      %scan3A_22 = arith.constant 0 : i32
      %scan3A_23 = arith.constant 80 : i32
      %scan3A_24 = arith.addi %scan3A_22, %scan3A_23 : i32
      %scan3A_25 = arith.constant 1 : i32
      scf.for %scan3A_107 = %scan3A_22 to %scan3A_24 step %scan3A_25  : i32 {
        %broadcast_in_dim3A = arith.constant 0.000000e+00 : f32
        %broadcast_in_dim3A_108 = vector.broadcast %broadcast_in_dim3A : f32 to vector<16xf32>
        %swap3A = arith.index_cast %scan3A_107 : i32 to index
        %swap3A_109 = arith.constant 0 : index
        %swap3A_110 = tpu.vector_load %run_scoped3A_2[%swap3A, %swap3A_109] {strides = array<i32>} : memref<80x128xf32, #tpu.memory_space<vmem>>, vector<1x16xf32>,
        %swap3A_111 = vector.shape_cast %swap3A_110 : vector<1x16xf32> to vector<16xf32>
        %swap3A_112 = vector.shape_cast %broadcast_in_dim3A_108 : vector<16xf32> to vector<1x16xf32>
        tpu.vector_store %run_scoped3A_2[%swap3A, %swap3A_109], %swap3A_112 {strides = array<i32>} : memref<80x128xf32, #tpu.memory_space<vmem>>, vector<1x16xf32>,
        %broadcast_in_dim3A_113 = arith.constant 0.000000e+00 : f32
        %broadcast_in_dim3A_114 = vector.broadcast %broadcast_in_dim3A_113 : f32 to vector<16xf32>
        %swap3A_115 = arith.index_cast %scan3A_107 : i32 to index
        %swap3A_116 = arith.constant 16 : index
        %swap3A_117 = tpu.vector_load %run_scoped3A_2[%swap3A_115, %swap3A_116] {strides = array<i32>} : memref<80x128xf32, #tpu.memory_space<vmem>>, vector<1x16xf32>,
        %swap3A_118 = vector.shape_cast %swap3A_117 : vector<1x16xf32> to vector<16xf32>
        %swap3A_119 = vector.shape_cast %broadcast_in_dim3A_114 : vector<16xf32> to vector<1x16xf32>
        tpu.vector_store %run_scoped3A_2[%swap3A_115, %swap3A_116], %swap3A_119 {strides = array<i32>} : memref<80x128xf32, #tpu.memory_space<vmem>>, vector<1x16xf32>,
        %broadcast_in_dim3A_120 = arith.constant 0.000000e+00 : f32
        %broadcast_in_dim3A_121 = vector.broadcast %broadcast_in_dim3A_120 : f32 to vector<16xf32>
        %swap3A_122 = arith.index_cast %scan3A_107 : i32 to index
        %swap3A_123 = arith.constant 32 : index
        %swap3A_124 = tpu.vector_load %run_scoped3A_2[%swap3A_122, %swap3A_123] {strides = array<i32>} : memref<80x128xf32, #tpu.memory_space<vmem>>, vector<1x16xf32>,
        %swap3A_125 = vector.shape_cast %swap3A_124 : vector<1x16xf32> to vector<16xf32>
        %swap3A_126 = vector.shape_cast %broadcast_in_dim3A_121 : vector<16xf32> to vector<1x16xf32>
        tpu.vector_store %run_scoped3A_2[%swap3A_122, %swap3A_123], %swap3A_126 {strides = array<i32>} : memref<80x128xf32, #tpu.memory_space<vmem>>, vector<1x16xf32>,
        %broadcast_in_dim3A_127 = arith.constant 0.000000e+00 : f32
        %broadcast_in_dim3A_128 = vector.broadcast %broadcast_in_dim3A_127 : f32 to vector<16xf32>
        %swap3A_129 = arith.index_cast %scan3A_107 : i32 to index
        %swap3A_130 = arith.constant 48 : index
        %swap3A_131 = tpu.vector_load %run_scoped3A_2[%swap3A_129, %swap3A_130] {strides = array<i32>} : memref<80x128xf32, #tpu.memory_space<vmem>>, vector<1x16xf32>,
        %swap3A_132 = vector.shape_cast %swap3A_131 : vector<1x16xf32> to vector<16xf32>
        %swap3A_133 = vector.shape_cast %broadcast_in_dim3A_128 : vector<16xf32> to vector<1x16xf32>
        tpu.vector_store %run_scoped3A_2[%swap3A_129, %swap3A_130], %swap3A_133 {strides = array<i32>} : memref<80x128xf32, #tpu.memory_space<vmem>>, vector<1x16xf32>,
        %broadcast_in_dim3A_134 = arith.constant 0.000000e+00 : f32
        %broadcast_in_dim3A_135 = vector.broadcast %broadcast_in_dim3A_134 : f32 to vector<16xf32>
        %swap3A_136 = arith.index_cast %scan3A_107 : i32 to index
        %swap3A_137 = arith.constant 64 : index
        %swap3A_138 = tpu.vector_load %run_scoped3A_2[%swap3A_136, %swap3A_137] {strides = array<i32>} : memref<80x128xf32, #tpu.memory_space<vmem>>, vector<1x16xf32>,
        %swap3A_139 = vector.shape_cast %swap3A_138 : vector<1x16xf32> to vector<16xf32>
        %swap3A_140 = vector.shape_cast %broadcast_in_dim3A_135 : vector<16xf32> to vector<1x16xf32>
        tpu.vector_store %run_scoped3A_2[%swap3A_136, %swap3A_137], %swap3A_140 {strides = array<i32>} : memref<80x128xf32, #tpu.memory_space<vmem>>, vector<1x16xf32>,
        %broadcast_in_dim3A_141 = arith.constant 0.000000e+00 : f32
        %broadcast_in_dim3A_142 = vector.broadcast %broadcast_in_dim3A_141 : f32 to vector<16xf32>
        %swap3A_143 = arith.index_cast %scan3A_107 : i32 to index
        %swap3A_144 = arith.constant 80 : index
        %swap3A_145 = tpu.vector_load %run_scoped3A_2[%swap3A_143, %swap3A_144] {strides = array<i32>} : memref<80x128xf32, #tpu.memory_space<vmem>>, vector<1x16xf32>,
        %swap3A_146 = vector.shape_cast %swap3A_145 : vector<1x16xf32> to vector<16xf32>
        %swap3A_147 = vector.shape_cast %broadcast_in_dim3A_142 : vector<16xf32> to vector<1x16xf32>
        tpu.vector_store %run_scoped3A_2[%swap3A_143, %swap3A_144], %swap3A_147 {strides = array<i32>} : memref<80x128xf32, #tpu.memory_space<vmem>>, vector<1x16xf32>,
        %broadcast_in_dim3A_148 = arith.constant 0.000000e+00 : f32
        %broadcast_in_dim3A_149 = vector.broadcast %broadcast_in_dim3A_148 : f32 to vector<16xf32>
        %swap3A_150 = arith.index_cast %scan3A_107 : i32 to index
        %swap3A_151 = arith.constant 96 : index
        %swap3A_152 = tpu.vector_load %run_scoped3A_2[%swap3A_150, %swap3A_151] {strides = array<i32>} : memref<80x128xf32, #tpu.memory_space<vmem>>, vector<1x16xf32>,
        %swap3A_153 = vector.shape_cast %swap3A_152 : vector<1x16xf32> to vector<16xf32>
        %swap3A_154 = vector.shape_cast %broadcast_in_dim3A_149 : vector<16xf32> to vector<1x16xf32>
        tpu.vector_store %run_scoped3A_2[%swap3A_150, %swap3A_151], %swap3A_154 {strides = array<i32>} : memref<80x128xf32, #tpu.memory_space<vmem>>, vector<1x16xf32>,
        %broadcast_in_dim3A_155 = arith.constant 0.000000e+00 : f32
        %broadcast_in_dim3A_156 = vector.broadcast %broadcast_in_dim3A_155 : f32 to vector<16xf32>
        %swap3A_157 = arith.index_cast %scan3A_107 : i32 to index
        %swap3A_158 = arith.constant 112 : index
        %swap3A_159 = tpu.vector_load %run_scoped3A_2[%swap3A_157, %swap3A_158] {strides = array<i32>} : memref<80x128xf32, #tpu.memory_space<vmem>>, vector<1x16xf32>,
        %swap3A_160 = vector.shape_cast %swap3A_159 : vector<1x16xf32> to vector<16xf32>
        %swap3A_161 = vector.shape_cast %broadcast_in_dim3A_156 : vector<16xf32> to vector<1x16xf32>
        tpu.vector_store %run_scoped3A_2[%swap3A_157, %swap3A_158], %swap3A_161 {strides = array<i32>} : memref<80x128xf32, #tpu.memory_space<vmem>>, vector<1x16xf32>,
      }
      %scan3A_26 = arith.constant 80 : i32
      %mul3A_27 = arith.constant 640 : i32
      %mul3A_28 = arith.muli %arg1, %mul3A_27 : i32
      %add3A_29 = arith.constant 0 : i32
      %add3A_30 = arith.addi %mul3A_28, %add3A_29 : i32
      "tpu.region"() ({
        %run_scoped3A_107 = tpu.sem_alloc : memref<!tpu.dma_semaphore, #tpu.memory_space<semaphore_mem>>
        %dma_start3A_108 = arith.constant 0 : i32
        %dma_start3A_109 = arith.constant 0 : i32
        %dma_start3A_110 = tpu.memref_slice %run_scoped3A_2[%dma_start3A_108, %dma_start3A_109] : memref<80x128xf32, #tpu.memory_space<vmem>> -> memref<80x128xf32, #tpu.memory_space<vmem>>
        %dma_start3A_111 = arith.constant 0 : i32
        %dma_start3A_112 = tpu.memref_slice %arg6[%add3A_30, %dma_start3A_111] : memref<10240x128xf32, #tpu.memory_space<vmem_shared>> -> memref<80x128xf32, #tpu.memory_space<vmem_shared>>
        %dma_start3A_113 = arith.constant 0 : i32
        %dma_start3A_114 = tpu.memref_slice %arg6[%add3A_30, %dma_start3A_113] : memref<10240x128xf32, #tpu.memory_space<vmem_shared>> -> memref<80x128xf32, #tpu.memory_space<vmem_shared>>
        %dma_start3A_115 = arith.constant 0 : i32
        %dma_start3A_116 = arith.constant 0 : i32
        %dma_start3A_117 = tpu.memref_slice %run_scoped3A_2[%dma_start3A_115, %dma_start3A_116] : memref<80x128xf32, #tpu.memory_space<vmem>> -> memref<80x128xf32, #tpu.memory_space<vmem>>
        tpu.enqueue_dma source(%dma_start3A_117 : memref<80x128xf32, #tpu.memory_space<vmem>>) target(%dma_start3A_114 : memref<80x128xf32, #tpu.memory_space<vmem_shared>>) target_semaphore(%run_scoped3A_107 : memref<!tpu.dma_semaphore, #tpu.memory_space<semaphore_mem>>)
        %dma_wait3A_118 = arith.constant 0 : i32
        %dma_wait3A_119 = arith.constant 0 : i32
        %dma_wait3A_120 = tpu.memref_slice %run_scoped3A_2[%dma_wait3A_118, %dma_wait3A_119] : memref<80x128xf32, #tpu.memory_space<vmem>> -> memref<80x128xf32, #tpu.memory_space<vmem>>
        %dma_wait3A_121 = arith.constant 0 : i32
        %dma_wait3A_122 = tpu.memref_slice %arg6[%add3A_30, %dma_wait3A_121] : memref<10240x128xf32, #tpu.memory_space<vmem_shared>> -> memref<80x128xf32, #tpu.memory_space<vmem_shared>>
        %dma_wait3A_123 = arith.constant 0 : i32
        %dma_wait3A_124 = tpu.memref_slice %arg6[%add3A_30, %dma_wait3A_123] : memref<10240x128xf32, #tpu.memory_space<vmem_shared>> -> memref<80x128xf32, #tpu.memory_space<vmem_shared>>
        %dma_wait3A_125 = arith.constant 0 : i32
        %dma_wait3A_126 = arith.constant 0 : i32
        %dma_wait3A_127 = tpu.memref_slice %run_scoped3A_2[%dma_wait3A_125, %dma_wait3A_126] : memref<80x128xf32, #tpu.memory_space<vmem>> -> memref<80x128xf32, #tpu.memory_space<vmem>>
        tpu.wait_dma2 semaphore(%run_scoped3A_107 : memref<!tpu.dma_semaphore, #tpu.memory_space<semaphore_mem>>) src(%dma_wait3A_127 : memref<80x128xf32, #tpu.memory_space<vmem>>) dst(%dma_wait3A_124 : memref<80x128xf32, #tpu.memory_space<vmem_shared>>)
        tpu.yield
      }) : () -> ()
      %mul3A_31 = arith.constant 640 : i32
      %mul3A_32 = arith.muli %arg1, %mul3A_31 : i32
      %add3A_33 = arith.constant 80 : i32
      %add3A_34 = arith.addi %mul3A_32, %add3A_33 : i32
      "tpu.region"() ({
        %run_scoped3A_107 = tpu.sem_alloc : memref<!tpu.dma_semaphore, #tpu.memory_space<semaphore_mem>>
        %dma_start3A_108 = arith.constant 0 : i32
        %dma_start3A_109 = arith.constant 0 : i32
        %dma_start3A_110 = tpu.memref_slice %run_scoped3A_2[%dma_start3A_108, %dma_start3A_109] : memref<80x128xf32, #tpu.memory_space<vmem>> -> memref<80x128xf32, #tpu.memory_space<vmem>>
        %dma_start3A_111 = arith.constant 0 : i32
        %dma_start3A_112 = tpu.memref_slice %arg6[%add3A_34, %dma_start3A_111] : memref<10240x128xf32, #tpu.memory_space<vmem_shared>> -> memref<80x128xf32, #tpu.memory_space<vmem_shared>>
        %dma_start3A_113 = arith.constant 0 : i32
        %dma_start3A_114 = tpu.memref_slice %arg6[%add3A_34, %dma_start3A_113] : memref<10240x128xf32, #tpu.memory_space<vmem_shared>> -> memref<80x128xf32, #tpu.memory_space<vmem_shared>>
        %dma_start3A_115 = arith.constant 0 : i32
        %dma_start3A_116 = arith.constant 0 : i32
        %dma_start3A_117 = tpu.memref_slice %run_scoped3A_2[%dma_start3A_115, %dma_start3A_116] : memref<80x128xf32, #tpu.memory_space<vmem>> -> memref<80x128xf32, #tpu.memory_space<vmem>>
        tpu.enqueue_dma source(%dma_start3A_117 : memref<80x128xf32, #tpu.memory_space<vmem>>) target(%dma_start3A_114 : memref<80x128xf32, #tpu.memory_space<vmem_shared>>) target_semaphore(%run_scoped3A_107 : memref<!tpu.dma_semaphore, #tpu.memory_space<semaphore_mem>>)
        %dma_wait3A_118 = arith.constant 0 : i32
        %dma_wait3A_119 = arith.constant 0 : i32
        %dma_wait3A_120 = tpu.memref_slice %run_scoped3A_2[%dma_wait3A_118, %dma_wait3A_119] : memref<80x128xf32, #tpu.memory_space<vmem>> -> memref<80x128xf32, #tpu.memory_space<vmem>>
        %dma_wait3A_121 = arith.constant 0 : i32
        %dma_wait3A_122 = tpu.memref_slice %arg6[%add3A_34, %dma_wait3A_121] : memref<10240x128xf32, #tpu.memory_space<vmem_shared>> -> memref<80x128xf32, #tpu.memory_space<vmem_shared>>
        %dma_wait3A_123 = arith.constant 0 : i32
        %dma_wait3A_124 = tpu.memref_slice %arg6[%add3A_34, %dma_wait3A_123] : memref<10240x128xf32, #tpu.memory_space<vmem_shared>> -> memref<80x128xf32, #tpu.memory_space<vmem_shared>>
        %dma_wait3A_125 = arith.constant 0 : i32
        %dma_wait3A_126 = arith.constant 0 : i32
        %dma_wait3A_127 = tpu.memref_slice %run_scoped3A_2[%dma_wait3A_125, %dma_wait3A_126] : memref<80x128xf32, #tpu.memory_space<vmem>> -> memref<80x128xf32, #tpu.memory_space<vmem>>
        tpu.wait_dma2 semaphore(%run_scoped3A_107 : memref<!tpu.dma_semaphore, #tpu.memory_space<semaphore_mem>>) src(%dma_wait3A_127 : memref<80x128xf32, #tpu.memory_space<vmem>>) dst(%dma_wait3A_124 : memref<80x128xf32, #tpu.memory_space<vmem_shared>>)
        tpu.yield
      }) : () -> ()
      %mul3A_35 = arith.constant 640 : i32
      %mul3A_36 = arith.muli %arg1, %mul3A_35 : i32
      %add3A_37 = arith.constant 160 : i32
      %add3A_38 = arith.addi %mul3A_36, %add3A_37 : i32
      "tpu.region"() ({
        %run_scoped3A_107 = tpu.sem_alloc : memref<!tpu.dma_semaphore, #tpu.memory_space<semaphore_mem>>
        %dma_start3A_108 = arith.constant 0 : i32
        %dma_start3A_109 = arith.constant 0 : i32
        %dma_start3A_110 = tpu.memref_slice %run_scoped3A_2[%dma_start3A_108, %dma_start3A_109] : memref<80x128xf32, #tpu.memory_space<vmem>> -> memref<80x128xf32, #tpu.memory_space<vmem>>
        %dma_start3A_111 = arith.constant 0 : i32
        %dma_start3A_112 = tpu.memref_slice %arg6[%add3A_38, %dma_start3A_111] : memref<10240x128xf32, #tpu.memory_space<vmem_shared>> -> memref<80x128xf32, #tpu.memory_space<vmem_shared>>
        %dma_start3A_113 = arith.constant 0 : i32
        %dma_start3A_114 = tpu.memref_slice %arg6[%add3A_38, %dma_start3A_113] : memref<10240x128xf32, #tpu.memory_space<vmem_shared>> -> memref<80x128xf32, #tpu.memory_space<vmem_shared>>
        %dma_start3A_115 = arith.constant 0 : i32
        %dma_start3A_116 = arith.constant 0 : i32
        %dma_start3A_117 = tpu.memref_slice %run_scoped3A_2[%dma_start3A_115, %dma_start3A_116] : memref<80x128xf32, #tpu.memory_space<vmem>> -> memref<80x128xf32, #tpu.memory_space<vmem>>
        tpu.enqueue_dma source(%dma_start3A_117 : memref<80x128xf32, #tpu.memory_space<vmem>>) target(%dma_start3A_114 : memref<80x128xf32, #tpu.memory_space<vmem_shared>>) target_semaphore(%run_scoped3A_107 : memref<!tpu.dma_semaphore, #tpu.memory_space<semaphore_mem>>)
        %dma_wait3A_118 = arith.constant 0 : i32
        %dma_wait3A_119 = arith.constant 0 : i32
        %dma_wait3A_120 = tpu.memref_slice %run_scoped3A_2[%dma_wait3A_118, %dma_wait3A_119] : memref<80x128xf32, #tpu.memory_space<vmem>> -> memref<80x128xf32, #tpu.memory_space<vmem>>
        %dma_wait3A_121 = arith.constant 0 : i32
        %dma_wait3A_122 = tpu.memref_slice %arg6[%add3A_38, %dma_wait3A_121] : memref<10240x128xf32, #tpu.memory_space<vmem_shared>> -> memref<80x128xf32, #tpu.memory_space<vmem_shared>>
        %dma_wait3A_123 = arith.constant 0 : i32
        %dma_wait3A_124 = tpu.memref_slice %arg6[%add3A_38, %dma_wait3A_123] : memref<10240x128xf32, #tpu.memory_space<vmem_shared>> -> memref<80x128xf32, #tpu.memory_space<vmem_shared>>
        %dma_wait3A_125 = arith.constant 0 : i32
        %dma_wait3A_126 = arith.constant 0 : i32
        %dma_wait3A_127 = tpu.memref_slice %run_scoped3A_2[%dma_wait3A_125, %dma_wait3A_126] : memref<80x128xf32, #tpu.memory_space<vmem>> -> memref<80x128xf32, #tpu.memory_space<vmem>>
        tpu.wait_dma2 semaphore(%run_scoped3A_107 : memref<!tpu.dma_semaphore, #tpu.memory_space<semaphore_mem>>) src(%dma_wait3A_127 : memref<80x128xf32, #tpu.memory_space<vmem>>) dst(%dma_wait3A_124 : memref<80x128xf32, #tpu.memory_space<vmem_shared>>)
        tpu.yield
      }) : () -> ()
      %mul3A_39 = arith.constant 640 : i32
      %mul3A_40 = arith.muli %arg1, %mul3A_39 : i32
      %add3A_41 = arith.constant 240 : i32
      %add3A_42 = arith.addi %mul3A_40, %add3A_41 : i32
      "tpu.region"() ({
        %run_scoped3A_107 = tpu.sem_alloc : memref<!tpu.dma_semaphore, #tpu.memory_space<semaphore_mem>>
        %dma_start3A_108 = arith.constant 0 : i32
        %dma_start3A_109 = arith.constant 0 : i32
        %dma_start3A_110 = tpu.memref_slice %run_scoped3A_2[%dma_start3A_108, %dma_start3A_109] : memref<80x128xf32, #tpu.memory_space<vmem>> -> memref<80x128xf32, #tpu.memory_space<vmem>>
        %dma_start3A_111 = arith.constant 0 : i32
        %dma_start3A_112 = tpu.memref_slice %arg6[%add3A_42, %dma_start3A_111] : memref<10240x128xf32, #tpu.memory_space<vmem_shared>> -> memref<80x128xf32, #tpu.memory_space<vmem_shared>>
        %dma_start3A_113 = arith.constant 0 : i32
        %dma_start3A_114 = tpu.memref_slice %arg6[%add3A_42, %dma_start3A_113] : memref<10240x128xf32, #tpu.memory_space<vmem_shared>> -> memref<80x128xf32, #tpu.memory_space<vmem_shared>>
        %dma_start3A_115 = arith.constant 0 : i32
        %dma_start3A_116 = arith.constant 0 : i32
        %dma_start3A_117 = tpu.memref_slice %run_scoped3A_2[%dma_start3A_115, %dma_start3A_116] : memref<80x128xf32, #tpu.memory_space<vmem>> -> memref<80x128xf32, #tpu.memory_space<vmem>>
        tpu.enqueue_dma source(%dma_start3A_117 : memref<80x128xf32, #tpu.memory_space<vmem>>) target(%dma_start3A_114 : memref<80x128xf32, #tpu.memory_space<vmem_shared>>) target_semaphore(%run_scoped3A_107 : memref<!tpu.dma_semaphore, #tpu.memory_space<semaphore_mem>>)
        %dma_wait3A_118 = arith.constant 0 : i32
        %dma_wait3A_119 = arith.constant 0 : i32
        %dma_wait3A_120 = tpu.memref_slice %run_scoped3A_2[%dma_wait3A_118, %dma_wait3A_119] : memref<80x128xf32, #tpu.memory_space<vmem>> -> memref<80x128xf32, #tpu.memory_space<vmem>>
        %dma_wait3A_121 = arith.constant 0 : i32
        %dma_wait3A_122 = tpu.memref_slice %arg6[%add3A_42, %dma_wait3A_121] : memref<10240x128xf32, #tpu.memory_space<vmem_shared>> -> memref<80x128xf32, #tpu.memory_space<vmem_shared>>
        %dma_wait3A_123 = arith.constant 0 : i32
        %dma_wait3A_124 = tpu.memref_slice %arg6[%add3A_42, %dma_wait3A_123] : memref<10240x128xf32, #tpu.memory_space<vmem_shared>> -> memref<80x128xf32, #tpu.memory_space<vmem_shared>>
        %dma_wait3A_125 = arith.constant 0 : i32
        %dma_wait3A_126 = arith.constant 0 : i32
        %dma_wait3A_127 = tpu.memref_slice %run_scoped3A_2[%dma_wait3A_125, %dma_wait3A_126] : memref<80x128xf32, #tpu.memory_space<vmem>> -> memref<80x128xf32, #tpu.memory_space<vmem>>
        tpu.wait_dma2 semaphore(%run_scoped3A_107 : memref<!tpu.dma_semaphore, #tpu.memory_space<semaphore_mem>>) src(%dma_wait3A_127 : memref<80x128xf32, #tpu.memory_space<vmem>>) dst(%dma_wait3A_124 : memref<80x128xf32, #tpu.memory_space<vmem_shared>>)
        tpu.yield
      }) : () -> ()
      %mul3A_43 = arith.constant 640 : i32
      %mul3A_44 = arith.muli %arg1, %mul3A_43 : i32
      %add3A_45 = arith.constant 320 : i32
      %add3A_46 = arith.addi %mul3A_44, %add3A_45 : i32
      "tpu.region"() ({
        %run_scoped3A_107 = tpu.sem_alloc : memref<!tpu.dma_semaphore, #tpu.memory_space<semaphore_mem>>
        %dma_start3A_108 = arith.constant 0 : i32
        %dma_start3A_109 = arith.constant 0 : i32
        %dma_start3A_110 = tpu.memref_slice %run_scoped3A_2[%dma_start3A_108, %dma_start3A_109] : memref<80x128xf32, #tpu.memory_space<vmem>> -> memref<80x128xf32, #tpu.memory_space<vmem>>
        %dma_start3A_111 = arith.constant 0 : i32
        %dma_start3A_112 = tpu.memref_slice %arg6[%add3A_46, %dma_start3A_111] : memref<10240x128xf32, #tpu.memory_space<vmem_shared>> -> memref<80x128xf32, #tpu.memory_space<vmem_shared>>
        %dma_start3A_113 = arith.constant 0 : i32
        %dma_start3A_114 = tpu.memref_slice %arg6[%add3A_46, %dma_start3A_113] : memref<10240x128xf32, #tpu.memory_space<vmem_shared>> -> memref<80x128xf32, #tpu.memory_space<vmem_shared>>
        %dma_start3A_115 = arith.constant 0 : i32
        %dma_start3A_116 = arith.constant 0 : i32
        %dma_start3A_117 = tpu.memref_slice %run_scoped3A_2[%dma_start3A_115, %dma_start3A_116] : memref<80x128xf32, #tpu.memory_space<vmem>> -> memref<80x128xf32, #tpu.memory_space<vmem>>
        tpu.enqueue_dma source(%dma_start3A_117 : memref<80x128xf32, #tpu.memory_space<vmem>>) target(%dma_start3A_114 : memref<80x128xf32, #tpu.memory_space<vmem_shared>>) target_semaphore(%run_scoped3A_107 : memref<!tpu.dma_semaphore, #tpu.memory_space<semaphore_mem>>)
        %dma_wait3A_118 = arith.constant 0 : i32
        %dma_wait3A_119 = arith.constant 0 : i32
        %dma_wait3A_120 = tpu.memref_slice %run_scoped3A_2[%dma_wait3A_118, %dma_wait3A_119] : memref<80x128xf32, #tpu.memory_space<vmem>> -> memref<80x128xf32, #tpu.memory_space<vmem>>
        %dma_wait3A_121 = arith.constant 0 : i32
        %dma_wait3A_122 = tpu.memref_slice %arg6[%add3A_46, %dma_wait3A_121] : memref<10240x128xf32, #tpu.memory_space<vmem_shared>> -> memref<80x128xf32, #tpu.memory_space<vmem_shared>>
        %dma_wait3A_123 = arith.constant 0 : i32
        %dma_wait3A_124 = tpu.memref_slice %arg6[%add3A_46, %dma_wait3A_123] : memref<10240x128xf32, #tpu.memory_space<vmem_shared>> -> memref<80x128xf32, #tpu.memory_space<vmem_shared>>
        %dma_wait3A_125 = arith.constant 0 : i32
        %dma_wait3A_126 = arith.constant 0 : i32
        %dma_wait3A_127 = tpu.memref_slice %run_scoped3A_2[%dma_wait3A_125, %dma_wait3A_126] : memref<80x128xf32, #tpu.memory_space<vmem>> -> memref<80x128xf32, #tpu.memory_space<vmem>>
        tpu.wait_dma2 semaphore(%run_scoped3A_107 : memref<!tpu.dma_semaphore, #tpu.memory_space<semaphore_mem>>) src(%dma_wait3A_127 : memref<80x128xf32, #tpu.memory_space<vmem>>) dst(%dma_wait3A_124 : memref<80x128xf32, #tpu.memory_space<vmem_shared>>)
        tpu.yield
      }) : () -> ()
      %mul3A_47 = arith.constant 640 : i32
      %mul3A_48 = arith.muli %arg1, %mul3A_47 : i32
      %add3A_49 = arith.constant 400 : i32
      %add3A_50 = arith.addi %mul3A_48, %add3A_49 : i32
      "tpu.region"() ({
        %run_scoped3A_107 = tpu.sem_alloc : memref<!tpu.dma_semaphore, #tpu.memory_space<semaphore_mem>>
        %dma_start3A_108 = arith.constant 0 : i32
        %dma_start3A_109 = arith.constant 0 : i32
        %dma_start3A_110 = tpu.memref_slice %run_scoped3A_2[%dma_start3A_108, %dma_start3A_109] : memref<80x128xf32, #tpu.memory_space<vmem>> -> memref<80x128xf32, #tpu.memory_space<vmem>>
        %dma_start3A_111 = arith.constant 0 : i32
        %dma_start3A_112 = tpu.memref_slice %arg6[%add3A_50, %dma_start3A_111] : memref<10240x128xf32, #tpu.memory_space<vmem_shared>> -> memref<80x128xf32, #tpu.memory_space<vmem_shared>>
        %dma_start3A_113 = arith.constant 0 : i32
        %dma_start3A_114 = tpu.memref_slice %arg6[%add3A_50, %dma_start3A_113] : memref<10240x128xf32, #tpu.memory_space<vmem_shared>> -> memref<80x128xf32, #tpu.memory_space<vmem_shared>>
        %dma_start3A_115 = arith.constant 0 : i32
        %dma_start3A_116 = arith.constant 0 : i32
        %dma_start3A_117 = tpu.memref_slice %run_scoped3A_2[%dma_start3A_115, %dma_start3A_116] : memref<80x128xf32, #tpu.memory_space<vmem>> -> memref<80x128xf32, #tpu.memory_space<vmem>>
        tpu.enqueue_dma source(%dma_start3A_117 : memref<80x128xf32, #tpu.memory_space<vmem>>) target(%dma_start3A_114 : memref<80x128xf32, #tpu.memory_space<vmem_shared>>) target_semaphore(%run_scoped3A_107 : memref<!tpu.dma_semaphore, #tpu.memory_space<semaphore_mem>>)
        %dma_wait3A_118 = arith.constant 0 : i32
        %dma_wait3A_119 = arith.constant 0 : i32
        %dma_wait3A_120 = tpu.memref_slice %run_scoped3A_2[%dma_wait3A_118, %dma_wait3A_119] : memref<80x128xf32, #tpu.memory_space<vmem>> -> memref<80x128xf32, #tpu.memory_space<vmem>>
        %dma_wait3A_121 = arith.constant 0 : i32
        %dma_wait3A_122 = tpu.memref_slice %arg6[%add3A_50, %dma_wait3A_121] : memref<10240x128xf32, #tpu.memory_space<vmem_shared>> -> memref<80x128xf32, #tpu.memory_space<vmem_shared>>
        %dma_wait3A_123 = arith.constant 0 : i32
        %dma_wait3A_124 = tpu.memref_slice %arg6[%add3A_50, %dma_wait3A_123] : memref<10240x128xf32, #tpu.memory_space<vmem_shared>> -> memref<80x128xf32, #tpu.memory_space<vmem_shared>>
        %dma_wait3A_125 = arith.constant 0 : i32
        %dma_wait3A_126 = arith.constant 0 : i32
        %dma_wait3A_127 = tpu.memref_slice %run_scoped3A_2[%dma_wait3A_125, %dma_wait3A_126] : memref<80x128xf32, #tpu.memory_space<vmem>> -> memref<80x128xf32, #tpu.memory_space<vmem>>
        tpu.wait_dma2 semaphore(%run_scoped3A_107 : memref<!tpu.dma_semaphore, #tpu.memory_space<semaphore_mem>>) src(%dma_wait3A_127 : memref<80x128xf32, #tpu.memory_space<vmem>>) dst(%dma_wait3A_124 : memref<80x128xf32, #tpu.memory_space<vmem_shared>>)
        tpu.yield
      }) : () -> ()
      %mul3A_51 = arith.constant 640 : i32
      %mul3A_52 = arith.muli %arg1, %mul3A_51 : i32
      %add3A_53 = arith.constant 480 : i32
      %add3A_54 = arith.addi %mul3A_52, %add3A_53 : i32
      "tpu.region"() ({
        %run_scoped3A_107 = tpu.sem_alloc : memref<!tpu.dma_semaphore, #tpu.memory_space<semaphore_mem>>
        %dma_start3A_108 = arith.constant 0 : i32
        %dma_start3A_109 = arith.constant 0 : i32
        %dma_start3A_110 = tpu.memref_slice %run_scoped3A_2[%dma_start3A_108, %dma_start3A_109] : memref<80x128xf32, #tpu.memory_space<vmem>> -> memref<80x128xf32, #tpu.memory_space<vmem>>
        %dma_start3A_111 = arith.constant 0 : i32
        %dma_start3A_112 = tpu.memref_slice %arg6[%add3A_54, %dma_start3A_111] : memref<10240x128xf32, #tpu.memory_space<vmem_shared>> -> memref<80x128xf32, #tpu.memory_space<vmem_shared>>
        %dma_start3A_113 = arith.constant 0 : i32
        %dma_start3A_114 = tpu.memref_slice %arg6[%add3A_54, %dma_start3A_113] : memref<10240x128xf32, #tpu.memory_space<vmem_shared>> -> memref<80x128xf32, #tpu.memory_space<vmem_shared>>
        %dma_start3A_115 = arith.constant 0 : i32
        %dma_start3A_116 = arith.constant 0 : i32
        %dma_start3A_117 = tpu.memref_slice %run_scoped3A_2[%dma_start3A_115, %dma_start3A_116] : memref<80x128xf32, #tpu.memory_space<vmem>> -> memref<80x128xf32, #tpu.memory_space<vmem>>
        tpu.enqueue_dma source(%dma_start3A_117 : memref<80x128xf32, #tpu.memory_space<vmem>>) target(%dma_start3A_114 : memref<80x128xf32, #tpu.memory_space<vmem_shared>>) target_semaphore(%run_scoped3A_107 : memref<!tpu.dma_semaphore, #tpu.memory_space<semaphore_mem>>)
        %dma_wait3A_118 = arith.constant 0 : i32
        %dma_wait3A_119 = arith.constant 0 : i32
        %dma_wait3A_120 = tpu.memref_slice %run_scoped3A_2[%dma_wait3A_118, %dma_wait3A_119] : memref<80x128xf32, #tpu.memory_space<vmem>> -> memref<80x128xf32, #tpu.memory_space<vmem>>
        %dma_wait3A_121 = arith.constant 0 : i32
        %dma_wait3A_122 = tpu.memref_slice %arg6[%add3A_54, %dma_wait3A_121] : memref<10240x128xf32, #tpu.memory_space<vmem_shared>> -> memref<80x128xf32, #tpu.memory_space<vmem_shared>>
        %dma_wait3A_123 = arith.constant 0 : i32
        %dma_wait3A_124 = tpu.memref_slice %arg6[%add3A_54, %dma_wait3A_123] : memref<10240x128xf32, #tpu.memory_space<vmem_shared>> -> memref<80x128xf32, #tpu.memory_space<vmem_shared>>
        %dma_wait3A_125 = arith.constant 0 : i32
        %dma_wait3A_126 = arith.constant 0 : i32
        %dma_wait3A_127 = tpu.memref_slice %run_scoped3A_2[%dma_wait3A_125, %dma_wait3A_126] : memref<80x128xf32, #tpu.memory_space<vmem>> -> memref<80x128xf32, #tpu.memory_space<vmem>>
        tpu.wait_dma2 semaphore(%run_scoped3A_107 : memref<!tpu.dma_semaphore, #tpu.memory_space<semaphore_mem>>) src(%dma_wait3A_127 : memref<80x128xf32, #tpu.memory_space<vmem>>) dst(%dma_wait3A_124 : memref<80x128xf32, #tpu.memory_space<vmem_shared>>)
        tpu.yield
      }) : () -> ()
      %mul3A_55 = arith.constant 640 : i32
      %mul3A_56 = arith.muli %arg1, %mul3A_55 : i32
      %add3A_57 = arith.constant 560 : i32
      %add3A_58 = arith.addi %mul3A_56, %add3A_57 : i32
      "tpu.region"() ({
        %run_scoped3A_107 = tpu.sem_alloc : memref<!tpu.dma_semaphore, #tpu.memory_space<semaphore_mem>>
        %dma_start3A_108 = arith.constant 0 : i32
        %dma_start3A_109 = arith.constant 0 : i32
        %dma_start3A_110 = tpu.memref_slice %run_scoped3A_2[%dma_start3A_108, %dma_start3A_109] : memref<80x128xf32, #tpu.memory_space<vmem>> -> memref<80x128xf32, #tpu.memory_space<vmem>>
        %dma_start3A_111 = arith.constant 0 : i32
        %dma_start3A_112 = tpu.memref_slice %arg6[%add3A_58, %dma_start3A_111] : memref<10240x128xf32, #tpu.memory_space<vmem_shared>> -> memref<80x128xf32, #tpu.memory_space<vmem_shared>>
        %dma_start3A_113 = arith.constant 0 : i32
        %dma_start3A_114 = tpu.memref_slice %arg6[%add3A_58, %dma_start3A_113] : memref<10240x128xf32, #tpu.memory_space<vmem_shared>> -> memref<80x128xf32, #tpu.memory_space<vmem_shared>>
        %dma_start3A_115 = arith.constant 0 : i32
        %dma_start3A_116 = arith.constant 0 : i32
        %dma_start3A_117 = tpu.memref_slice %run_scoped3A_2[%dma_start3A_115, %dma_start3A_116] : memref<80x128xf32, #tpu.memory_space<vmem>> -> memref<80x128xf32, #tpu.memory_space<vmem>>
        tpu.enqueue_dma source(%dma_start3A_117 : memref<80x128xf32, #tpu.memory_space<vmem>>) target(%dma_start3A_114 : memref<80x128xf32, #tpu.memory_space<vmem_shared>>) target_semaphore(%run_scoped3A_107 : memref<!tpu.dma_semaphore, #tpu.memory_space<semaphore_mem>>)
        %dma_wait3A_118 = arith.constant 0 : i32
        %dma_wait3A_119 = arith.constant 0 : i32
        %dma_wait3A_120 = tpu.memref_slice %run_scoped3A_2[%dma_wait3A_118, %dma_wait3A_119] : memref<80x128xf32, #tpu.memory_space<vmem>> -> memref<80x128xf32, #tpu.memory_space<vmem>>
        %dma_wait3A_121 = arith.constant 0 : i32
        %dma_wait3A_122 = tpu.memref_slice %arg6[%add3A_58, %dma_wait3A_121] : memref<10240x128xf32, #tpu.memory_space<vmem_shared>> -> memref<80x128xf32, #tpu.memory_space<vmem_shared>>
        %dma_wait3A_123 = arith.constant 0 : i32
        %dma_wait3A_124 = tpu.memref_slice %arg6[%add3A_58, %dma_wait3A_123] : memref<10240x128xf32, #tpu.memory_space<vmem_shared>> -> memref<80x128xf32, #tpu.memory_space<vmem_shared>>
        %dma_wait3A_125 = arith.constant 0 : i32
        %dma_wait3A_126 = arith.constant 0 : i32
        %dma_wait3A_127 = tpu.memref_slice %run_scoped3A_2[%dma_wait3A_125, %dma_wait3A_126] : memref<80x128xf32, #tpu.memory_space<vmem>> -> memref<80x128xf32, #tpu.memory_space<vmem>>
        tpu.wait_dma2 semaphore(%run_scoped3A_107 : memref<!tpu.dma_semaphore, #tpu.memory_space<semaphore_mem>>) src(%dma_wait3A_127 : memref<80x128xf32, #tpu.memory_space<vmem>>) dst(%dma_wait3A_124 : memref<80x128xf32, #tpu.memory_space<vmem_shared>>)
        tpu.yield
      }) : () -> ()
      %dma_wait3A = arith.constant 0 : i32
      %dma_wait3A_59 = arith.constant 0 : i32
      %dma_wait3A_60 = tpu.memref_slice %arg3[%add3A, %dma_wait3A, %dma_wait3A_59] : memref<32x125x80xi32, #tpu.memory_space<hbm>> -> memref<1x125x80xi32, #tpu.memory_space<hbm>>
      %dma_wait3A_61 = tpu.memref_squeeze %dma_wait3A_60 : memref<1x125x80xi32, #tpu.memory_space<hbm>> -> memref<125x80xi32, #tpu.memory_space<hbm>>
      %dma_wait3A_62 = arith.constant 0 : i32
      %dma_wait3A_63 = arith.constant 0 : i32
      %dma_wait3A_64 = tpu.memref_slice %arg3[%add3A, %dma_wait3A_62, %dma_wait3A_63] : memref<32x125x80xi32, #tpu.memory_space<hbm>> -> memref<1x125x80xi32, #tpu.memory_space<hbm>>
      %dma_wait3A_65 = tpu.memref_squeeze %dma_wait3A_64 : memref<1x125x80xi32, #tpu.memory_space<hbm>> -> memref<125x80xi32, #tpu.memory_space<hbm>>
      tpu.wait_dma2 semaphore(%run_scoped3A_6 : memref<!tpu.dma_semaphore, #tpu.memory_space<semaphore_mem>>) src(%dma_wait3A_65 : memref<125x80xi32, #tpu.memory_space<hbm>>) dst(%run_scoped3A : memref<125x80xi32, #tpu.memory_space<vmem>>)
      %dma_wait3A_66 = arith.constant 0 : i32
      %dma_wait3A_67 = arith.constant 0 : i32
      %dma_wait3A_68 = tpu.memref_slice %arg4[%add3A, %dma_wait3A_66, %dma_wait3A_67] : memref<32x125x80xi32, #tpu.memory_space<hbm>> -> memref<1x125x80xi32, #tpu.memory_space<hbm>>
      %dma_wait3A_69 = tpu.memref_squeeze %dma_wait3A_68 : memref<1x125x80xi32, #tpu.memory_space<hbm>> -> memref<125x80xi32, #tpu.memory_space<hbm>>
      %dma_wait3A_70 = arith.constant 0 : i32
      %dma_wait3A_71 = arith.constant 0 : i32
      %dma_wait3A_72 = tpu.memref_slice %arg4[%add3A, %dma_wait3A_70, %dma_wait3A_71] : memref<32x125x80xi32, #tpu.memory_space<hbm>> -> memref<1x125x80xi32, #tpu.memory_space<hbm>>
      %dma_wait3A_73 = tpu.memref_squeeze %dma_wait3A_72 : memref<1x125x80xi32, #tpu.memory_space<hbm>> -> memref<125x80xi32, #tpu.memory_space<hbm>>
      tpu.wait_dma2 semaphore(%run_scoped3A_6 : memref<!tpu.dma_semaphore, #tpu.memory_space<semaphore_mem>>) src(%dma_wait3A_73 : memref<125x80xi32, #tpu.memory_space<hbm>>) dst(%run_scoped3A_1 : memref<125x80xi32, #tpu.memory_space<vmem>>)
      %barrier3A = arith.constant 0 : index
      tpu.barrier barrier_id(%barrier3A)
      %dma_start3A_74 = arith.constant 0 : i32
      %dma_start3A_75 = arith.constant 0 : i32
      %dma_start3A_76 = tpu.memref_slice %run_scoped3A[%dma_start3A_74, %dma_start3A_75] : memref<125x80xi32, #tpu.memory_space<vmem>> -> memref<1x80xi32, #tpu.memory_space<vmem>>
      %dma_start3A_77 = tpu.memref_squeeze %dma_start3A_76 : memref<1x80xi32, #tpu.memory_space<vmem>> -> memref<80xi32, #tpu.memory_space<vmem>>
      %dma_start3A_78 = arith.constant 0 : i32
      %dma_start3A_79 = arith.constant 0 : i32
      %dma_start3A_80 = tpu.memref_slice %arg2[%dma_start3A_78, %dma_start3A_79] : memref<10000x128xf32, #tpu.memory_space<hbm>> -> memref<10000x128xf32, #tpu.memory_space<hbm>>
      tpu.enqueue_indirect_dma source(%dma_start3A_80 : memref<10000x128xf32, #tpu.memory_space<hbm>>) target(%run_scoped3A_2 : memref<80x128xf32, #tpu.memory_space<vmem>>) offsets(%dma_start3A_77 : memref<80xi32, #tpu.memory_space<vmem>>) semaphore(%run_scoped3A_4 : memref<!tpu.dma_semaphore, #tpu.memory_space<semaphore_mem>>)
      %dma_start3A_81 = arith.constant 1 : i32
      %dma_start3A_82 = arith.constant 0 : i32
      %dma_start3A_83 = tpu.memref_slice %run_scoped3A[%dma_start3A_81, %dma_start3A_82] : memref<125x80xi32, #tpu.memory_space<vmem>> -> memref<1x80xi32, #tpu.memory_space<vmem>>
      %dma_start3A_84 = tpu.memref_squeeze %dma_start3A_83 : memref<1x80xi32, #tpu.memory_space<vmem>> -> memref<80xi32, #tpu.memory_space<vmem>>
      %dma_start3A_85 = arith.constant 0 : i32
      %dma_start3A_86 = arith.constant 0 : i32
      %dma_start3A_87 = tpu.memref_slice %arg2[%dma_start3A_85, %dma_start3A_86] : memref<10000x128xf32, #tpu.memory_space<hbm>> -> memref<10000x128xf32, #tpu.memory_space<hbm>>
      tpu.enqueue_indirect_dma source(%dma_start3A_87 : memref<10000x128xf32, #tpu.memory_space<hbm>>) target(%run_scoped3A_3 : memref<80x128xf32, #tpu.memory_space<vmem>>) offsets(%dma_start3A_84 : memref<80xi32, #tpu.memory_space<vmem>>) semaphore(%run_scoped3A_5 : memref<!tpu.dma_semaphore, #tpu.memory_space<semaphore_mem>>)
      %scan3A_88 = arith.constant 0 : i32
      %scan3A_89 = arith.constant 0 : i32
      %scan3A_90 = arith.constant 62 : i32
      %scan3A_91 = arith.addi %scan3A_89, %scan3A_90 : i32
      %scan3A_92 = arith.constant 1 : i32
      scf.for %scan3A_107 = %scan3A_89 to %scan3A_91 step %scan3A_92  : i32 {
        %mul3A_108 = arith.constant 2 : i32
        %mul3A_109 = arith.muli %scan3A_107, %mul3A_108 : i32
        %add3A_110 = arith.constant 0 : i32
        %add3A_111 = arith.addi %mul3A_109, %add3A_110 : i32
        %dma_wait3A_112 = arith.constant 0 : i32
        %dma_wait3A_113 = tpu.memref_slice %run_scoped3A[%add3A_111, %dma_wait3A_112] : memref<125x80xi32, #tpu.memory_space<vmem>> -> memref<1x80xi32, #tpu.memory_space<vmem>>
        %dma_wait3A_114 = tpu.memref_squeeze %dma_wait3A_113 : memref<1x80xi32, #tpu.memory_space<vmem>> -> memref<80xi32, #tpu.memory_space<vmem>>
        %dma_wait3A_115 = arith.constant 0 : i32
        %dma_wait3A_116 = arith.constant 0 : i32
        %dma_wait3A_117 = tpu.memref_slice %arg2[%dma_wait3A_115, %dma_wait3A_116] : memref<10000x128xf32, #tpu.memory_space<hbm>> -> memref<10000x128xf32, #tpu.memory_space<hbm>>
        tpu.wait_indirect_dma semaphore(%run_scoped3A_4 : memref<!tpu.dma_semaphore, #tpu.memory_space<semaphore_mem>>) src(%dma_wait3A_117 : memref<10000x128xf32, #tpu.memory_space<hbm>>) dst(%run_scoped3A_2 : memref<80x128xf32, #tpu.memory_space<vmem>>)
        "tpu.region"() ({
          %run_scoped3A_139 = tpu.sem_alloc : memref<!tpu.dma_semaphore, #tpu.memory_space<semaphore_mem>>
          %dma_start3A_140 = arith.constant 0 : i32
          %dma_start3A_141 = tpu.memref_slice %run_scoped3A_1[%add3A_111, %dma_start3A_140] : memref<125x80xi32, #tpu.memory_space<vmem>> -> memref<1x80xi32, #tpu.memory_space<vmem>>
          %dma_start3A_142 = tpu.memref_squeeze %dma_start3A_141 : memref<1x80xi32, #tpu.memory_space<vmem>> -> memref<80xi32, #tpu.memory_space<vmem>>
          %dma_start3A_143 = arith.constant 0 : i32
          %dma_start3A_144 = arith.constant 0 : i32
          %dma_start3A_145 = tpu.memref_slice %arg6[%dma_start3A_143, %dma_start3A_144] : memref<10240x128xf32, #tpu.memory_space<vmem_shared>> -> memref<10240x128xf32, #tpu.memory_space<vmem_shared>>
          tpu.enqueue_indirect_dma source(%run_scoped3A_2 : memref<80x128xf32, #tpu.memory_space<vmem>>) target(%dma_start3A_145 : memref<10240x128xf32, #tpu.memory_space<vmem_shared>>) offsets(%dma_start3A_142 : memref<80xi32, #tpu.memory_space<vmem>>) semaphore(%run_scoped3A_139 : memref<!tpu.dma_semaphore, #tpu.memory_space<semaphore_mem>>) {add = true}
          %dma_wait3A_146 = arith.constant 0 : i32
          %dma_wait3A_147 = tpu.memref_slice %run_scoped3A_1[%add3A_111, %dma_wait3A_146] : memref<125x80xi32, #tpu.memory_space<vmem>> -> memref<1x80xi32, #tpu.memory_space<vmem>>
          %dma_wait3A_148 = tpu.memref_squeeze %dma_wait3A_147 : memref<1x80xi32, #tpu.memory_space<vmem>> -> memref<80xi32, #tpu.memory_space<vmem>>
          %dma_wait3A_149 = arith.constant 0 : i32
          %dma_wait3A_150 = arith.constant 0 : i32
          %dma_wait3A_151 = tpu.memref_slice %arg6[%dma_wait3A_149, %dma_wait3A_150] : memref<10240x128xf32, #tpu.memory_space<vmem_shared>> -> memref<10240x128xf32, #tpu.memory_space<vmem_shared>>
          tpu.wait_indirect_dma semaphore(%run_scoped3A_139 : memref<!tpu.dma_semaphore, #tpu.memory_space<semaphore_mem>>) src(%run_scoped3A_2 : memref<80x128xf32, #tpu.memory_space<vmem>>) dst(%dma_wait3A_151 : memref<10240x128xf32, #tpu.memory_space<vmem_shared>>)
          tpu.yield
        }) : () -> ()
        %add3A_118 = arith.constant 2 : i32
        %add3A_119 = arith.addi %add3A_111, %add3A_118 : i32
        %lt3A = arith.constant 125 : i32
        %lt3A_120 = arith.cmpi slt, %add3A_119, %lt3A : i32
        %convert_element_type3A = arith.extui %lt3A_120 : i1 to i32
        %cond3A = arith.constant 0 : i32
        %cond3A_121 = arith.cmpi ne, %convert_element_type3A, %cond3A : i32
        scf.if %cond3A_121 {
          %add3A_139 = arith.constant 2 : i32
          %add3A_140 = arith.addi %add3A_111, %add3A_139 : i32
          %dma_start3A_141 = arith.constant 0 : i32
          %dma_start3A_142 = tpu.memref_slice %run_scoped3A[%add3A_140, %dma_start3A_141] : memref<125x80xi32, #tpu.memory_space<vmem>> -> memref<1x80xi32, #tpu.memory_space<vmem>>
          %dma_start3A_143 = tpu.memref_squeeze %dma_start3A_142 : memref<1x80xi32, #tpu.memory_space<vmem>> -> memref<80xi32, #tpu.memory_space<vmem>>
          %dma_start3A_144 = arith.constant 0 : i32
          %dma_start3A_145 = arith.constant 0 : i32
          %dma_start3A_146 = tpu.memref_slice %arg2[%dma_start3A_144, %dma_start3A_145] : memref<10000x128xf32, #tpu.memory_space<hbm>> -> memref<10000x128xf32, #tpu.memory_space<hbm>>
          tpu.enqueue_indirect_dma source(%dma_start3A_146 : memref<10000x128xf32, #tpu.memory_space<hbm>>) target(%run_scoped3A_2 : memref<80x128xf32, #tpu.memory_space<vmem>>) offsets(%dma_start3A_143 : memref<80xi32, #tpu.memory_space<vmem>>) semaphore(%run_scoped3A_4 : memref<!tpu.dma_semaphore, #tpu.memory_space<semaphore_mem>>)
        } else {
        }
        %mul3A_122 = arith.constant 2 : i32
        %mul3A_123 = arith.muli %scan3A_107, %mul3A_122 : i32
        %add3A_124 = arith.constant 1 : i32
        %add3A_125 = arith.addi %mul3A_123, %add3A_124 : i32
        %dma_wait3A_126 = arith.constant 0 : i32
        %dma_wait3A_127 = tpu.memref_slice %run_scoped3A[%add3A_125, %dma_wait3A_126] : memref<125x80xi32, #tpu.memory_space<vmem>> -> memref<1x80xi32, #tpu.memory_space<vmem>>
        %dma_wait3A_128 = tpu.memref_squeeze %dma_wait3A_127 : memref<1x80xi32, #tpu.memory_space<vmem>> -> memref<80xi32, #tpu.memory_space<vmem>>
        %dma_wait3A_129 = arith.constant 0 : i32
        %dma_wait3A_130 = arith.constant 0 : i32
        %dma_wait3A_131 = tpu.memref_slice %arg2[%dma_wait3A_129, %dma_wait3A_130] : memref<10000x128xf32, #tpu.memory_space<hbm>> -> memref<10000x128xf32, #tpu.memory_space<hbm>>
        tpu.wait_indirect_dma semaphore(%run_scoped3A_5 : memref<!tpu.dma_semaphore, #tpu.memory_space<semaphore_mem>>) src(%dma_wait3A_131 : memref<10000x128xf32, #tpu.memory_space<hbm>>) dst(%run_scoped3A_3 : memref<80x128xf32, #tpu.memory_space<vmem>>)
        "tpu.region"() ({
          %run_scoped3A_139 = tpu.sem_alloc : memref<!tpu.dma_semaphore, #tpu.memory_space<semaphore_mem>>
          %dma_start3A_140 = arith.constant 0 : i32
          %dma_start3A_141 = tpu.memref_slice %run_scoped3A_1[%add3A_125, %dma_start3A_140] : memref<125x80xi32, #tpu.memory_space<vmem>> -> memref<1x80xi32, #tpu.memory_space<vmem>>
          %dma_start3A_142 = tpu.memref_squeeze %dma_start3A_141 : memref<1x80xi32, #tpu.memory_space<vmem>> -> memref<80xi32, #tpu.memory_space<vmem>>
          %dma_start3A_143 = arith.constant 0 : i32
          %dma_start3A_144 = arith.constant 0 : i32
          %dma_start3A_145 = tpu.memref_slice %arg6[%dma_start3A_143, %dma_start3A_144] : memref<10240x128xf32, #tpu.memory_space<vmem_shared>> -> memref<10240x128xf32, #tpu.memory_space<vmem_shared>>
          tpu.enqueue_indirect_dma source(%run_scoped3A_3 : memref<80x128xf32, #tpu.memory_space<vmem>>) target(%dma_start3A_145 : memref<10240x128xf32, #tpu.memory_space<vmem_shared>>) offsets(%dma_start3A_142 : memref<80xi32, #tpu.memory_space<vmem>>) semaphore(%run_scoped3A_139 : memref<!tpu.dma_semaphore, #tpu.memory_space<semaphore_mem>>) {add = true}
          %dma_wait3A_146 = arith.constant 0 : i32
          %dma_wait3A_147 = tpu.memref_slice %run_scoped3A_1[%add3A_125, %dma_wait3A_146] : memref<125x80xi32, #tpu.memory_space<vmem>> -> memref<1x80xi32, #tpu.memory_space<vmem>>
          %dma_wait3A_148 = tpu.memref_squeeze %dma_wait3A_147 : memref<1x80xi32, #tpu.memory_space<vmem>> -> memref<80xi32, #tpu.memory_space<vmem>>
          %dma_wait3A_149 = arith.constant 0 : i32
          %dma_wait3A_150 = arith.constant 0 : i32
          %dma_wait3A_151 = tpu.memref_slice %arg6[%dma_wait3A_149, %dma_wait3A_150] : memref<10240x128xf32, #tpu.memory_space<vmem_shared>> -> memref<10240x128xf32, #tpu.memory_space<vmem_shared>>
          tpu.wait_indirect_dma semaphore(%run_scoped3A_139 : memref<!tpu.dma_semaphore, #tpu.memory_space<semaphore_mem>>) src(%run_scoped3A_3 : memref<80x128xf32, #tpu.memory_space<vmem>>) dst(%dma_wait3A_151 : memref<10240x128xf32, #tpu.memory_space<vmem_shared>>)
          tpu.yield
        }) : () -> ()
        %add3A_132 = arith.constant 2 : i32
        %add3A_133 = arith.addi %add3A_125, %add3A_132 : i32
        %lt3A_134 = arith.constant 125 : i32
        %lt3A_135 = arith.cmpi slt, %add3A_133, %lt3A_134 : i32
        %convert_element_type3A_136 = arith.extui %lt3A_135 : i1 to i32
        %cond3A_137 = arith.constant 0 : i32
        %cond3A_138 = arith.cmpi ne, %convert_element_type3A_136, %cond3A_137 : i32
        scf.if %cond3A_138 {
          %add3A_139 = arith.constant 2 : i32
          %add3A_140 = arith.addi %add3A_125, %add3A_139 : i32
          %dma_start3A_141 = arith.constant 0 : i32
          %dma_start3A_142 = tpu.memref_slice %run_scoped3A[%add3A_140, %dma_start3A_141] : memref<125x80xi32, #tpu.memory_space<vmem>> -> memref<1x80xi32, #tpu.memory_space<vmem>>
          %dma_start3A_143 = tpu.memref_squeeze %dma_start3A_142 : memref<1x80xi32, #tpu.memory_space<vmem>> -> memref<80xi32, #tpu.memory_space<vmem>>
          %dma_start3A_144 = arith.constant 0 : i32
          %dma_start3A_145 = arith.constant 0 : i32
          %dma_start3A_146 = tpu.memref_slice %arg2[%dma_start3A_144, %dma_start3A_145] : memref<10000x128xf32, #tpu.memory_space<hbm>> -> memref<10000x128xf32, #tpu.memory_space<hbm>>
          tpu.enqueue_indirect_dma source(%dma_start3A_146 : memref<10000x128xf32, #tpu.memory_space<hbm>>) target(%run_scoped3A_3 : memref<80x128xf32, #tpu.memory_space<vmem>>) offsets(%dma_start3A_143 : memref<80xi32, #tpu.memory_space<vmem>>) semaphore(%run_scoped3A_5 : memref<!tpu.dma_semaphore, #tpu.memory_space<semaphore_mem>>)
        } else {
        }
      }
      %scan3A_93 = arith.constant 62 : i32
      %dma_wait3A_94 = arith.constant 124 : i32
      %dma_wait3A_95 = arith.constant 0 : i32
      %dma_wait3A_96 = tpu.memref_slice %run_scoped3A[%dma_wait3A_94, %dma_wait3A_95] : memref<125x80xi32, #tpu.memory_space<vmem>> -> memref<1x80xi32, #tpu.memory_space<vmem>>
      %dma_wait3A_97 = tpu.memref_squeeze %dma_wait3A_96 : memref<1x80xi32, #tpu.memory_space<vmem>> -> memref<80xi32, #tpu.memory_space<vmem>>
      %dma_wait3A_98 = arith.constant 0 : i32
      %dma_wait3A_99 = arith.constant 0 : i32
      %dma_wait3A_100 = tpu.memref_slice %arg2[%dma_wait3A_98, %dma_wait3A_99] : memref<10000x128xf32, #tpu.memory_space<hbm>> -> memref<10000x128xf32, #tpu.memory_space<hbm>>
      tpu.wait_indirect_dma semaphore(%run_scoped3A_4 : memref<!tpu.dma_semaphore, #tpu.memory_space<semaphore_mem>>) src(%dma_wait3A_100 : memref<10000x128xf32, #tpu.memory_space<hbm>>) dst(%run_scoped3A_2 : memref<80x128xf32, #tpu.memory_space<vmem>>)
      %run_scoped3A_101 = arith.constant 124 : i32
      "tpu.region"() ({
        %run_scoped3A_107 = tpu.sem_alloc : memref<!tpu.dma_semaphore, #tpu.memory_space<semaphore_mem>>
        %dma_start3A_108 = arith.constant 0 : i32
        %dma_start3A_109 = tpu.memref_slice %run_scoped3A_1[%run_scoped3A_101, %dma_start3A_108] : memref<125x80xi32, #tpu.memory_space<vmem>> -> memref<1x80xi32, #tpu.memory_space<vmem>>
        %dma_start3A_110 = tpu.memref_squeeze %dma_start3A_109 : memref<1x80xi32, #tpu.memory_space<vmem>> -> memref<80xi32, #tpu.memory_space<vmem>>
        %dma_start3A_111 = arith.constant 0 : i32
        %dma_start3A_112 = arith.constant 0 : i32
        %dma_start3A_113 = tpu.memref_slice %arg6[%dma_start3A_111, %dma_start3A_112] : memref<10240x128xf32, #tpu.memory_space<vmem_shared>> -> memref<10240x128xf32, #tpu.memory_space<vmem_shared>>
        tpu.enqueue_indirect_dma source(%run_scoped3A_2 : memref<80x128xf32, #tpu.memory_space<vmem>>) target(%dma_start3A_113 : memref<10240x128xf32, #tpu.memory_space<vmem_shared>>) offsets(%dma_start3A_110 : memref<80xi32, #tpu.memory_space<vmem>>) semaphore(%run_scoped3A_107 : memref<!tpu.dma_semaphore, #tpu.memory_space<semaphore_mem>>) {add = true}
        %dma_wait3A_114 = arith.constant 0 : i32
        %dma_wait3A_115 = tpu.memref_slice %run_scoped3A_1[%run_scoped3A_101, %dma_wait3A_114] : memref<125x80xi32, #tpu.memory_space<vmem>> -> memref<1x80xi32, #tpu.memory_space<vmem>>
        %dma_wait3A_116 = tpu.memref_squeeze %dma_wait3A_115 : memref<1x80xi32, #tpu.memory_space<vmem>> -> memref<80xi32, #tpu.memory_space<vmem>>
        %dma_wait3A_117 = arith.constant 0 : i32
        %dma_wait3A_118 = arith.constant 0 : i32
        %dma_wait3A_119 = tpu.memref_slice %arg6[%dma_wait3A_117, %dma_wait3A_118] : memref<10240x128xf32, #tpu.memory_space<vmem_shared>> -> memref<10240x128xf32, #tpu.memory_space<vmem_shared>>
        tpu.wait_indirect_dma semaphore(%run_scoped3A_107 : memref<!tpu.dma_semaphore, #tpu.memory_space<semaphore_mem>>) src(%run_scoped3A_2 : memref<80x128xf32, #tpu.memory_space<vmem>>) dst(%dma_wait3A_119 : memref<10240x128xf32, #tpu.memory_space<vmem_shared>>)
        tpu.yield
      }) : () -> ()
      %barrier3A_102 = arith.constant 0 : index
      tpu.barrier barrier_id(%barrier3A_102)
      %mul3A_103 = arith.constant 640 : i32
      %mul3A_104 = arith.muli %arg1, %mul3A_103 : i32
      %mul3A_105 = arith.constant 640 : i32
      %mul3A_106 = arith.muli %arg1, %mul3A_105 : i32
      "tpu.region"() ({
        %run_scoped3A_107 = tpu.sem_alloc : memref<!tpu.dma_semaphore, #tpu.memory_space<semaphore_mem>>
        %dma_start3A_108 = arith.constant 0 : i32
        %dma_start3A_109 = tpu.memref_slice %arg5[%arg0, %mul3A_106, %dma_start3A_108] : memref<2x10240x128xf32, #tpu.memory_space<hbm>> -> memref<1x640x128xf32, #tpu.memory_space<hbm>>
        %dma_start3A_110 = tpu.memref_squeeze %dma_start3A_109 : memref<1x640x128xf32, #tpu.memory_space<hbm>> -> memref<640x128xf32, #tpu.memory_space<hbm>>
        %dma_start3A_111 = arith.constant 0 : i32
        %dma_start3A_112 = tpu.memref_slice %arg6[%mul3A_104, %dma_start3A_111] : memref<10240x128xf32, #tpu.memory_space<vmem_shared>> -> memref<640x128xf32, #tpu.memory_space<vmem_shared>>
        tpu.enqueue_dma source(%dma_start3A_112 : memref<640x128xf32, #tpu.memory_space<vmem_shared>>) target(%dma_start3A_110 : memref<640x128xf32, #tpu.memory_space<hbm>>) target_semaphore(%run_scoped3A_107 : memref<!tpu.dma_semaphore, #tpu.memory_space<semaphore_mem>>)
        %dma_wait3A_113 = arith.constant 0 : i32
        %dma_wait3A_114 = tpu.memref_slice %arg5[%arg0, %mul3A_106, %dma_wait3A_113] : memref<2x10240x128xf32, #tpu.memory_space<hbm>> -> memref<1x640x128xf32, #tpu.memory_space<hbm>>
        %dma_wait3A_115 = tpu.memref_squeeze %dma_wait3A_114 : memref<1x640x128xf32, #tpu.memory_space<hbm>> -> memref<640x128xf32, #tpu.memory_space<hbm>>
        %dma_wait3A_116 = arith.constant 0 : i32
        %dma_wait3A_117 = tpu.memref_slice %arg6[%mul3A_104, %dma_wait3A_116] : memref<10240x128xf32, #tpu.memory_space<vmem_shared>> -> memref<640x128xf32, #tpu.memory_space<vmem_shared>>
        tpu.wait_dma2 semaphore(%run_scoped3A_107 : memref<!tpu.dma_semaphore, #tpu.memory_space<semaphore_mem>>) src(%dma_wait3A_117 : memref<640x128xf32, #tpu.memory_space<vmem_shared>>) dst(%dma_wait3A_115 : memref<640x128xf32, #tpu.memory_space<hbm>>)
        tpu.yield
      }) : () -> ()
      tpu.yield
    }) : () -> ()
    return
  }
}

#map = affine_map<(d0, d1) -> (0)>
#map1 = affine_map<(d0, d1) -> (0, 0)>
module attributes {stable_mosaic.version = 14 : i64} {
  func.func @_sc_agg1(%arg0: i32, %arg1: i32, %arg2: memref<10000xf32, #tpu.memory_space<hbm>>, %arg3: memref<32x10000xi32, #tpu.memory_space<hbm>>, %arg4: memref<32x10000xi32, #tpu.memory_space<hbm>>, %arg5: memref<2x10240xf32, #tpu.memory_space<hbm>>, %arg6: memref<16x10240xf32, #tpu.memory_space<vmem_shared>>) attributes {dimension_semantics = [#tpu.dimension_semantics<core_parallel>, #tpu.dimension_semantics<subcore_parallel>], iteration_bounds = array<i64: 2, 16>, scalar_prefetch = 0 : i64, scratch_operands = 1 : i64, tpu.core_type = #tpu.core_type<sc_vector_subcore>, window_params = [{transform_indices = #map}, {transform_indices = #map1}, {transform_indices = #map1}, {transform_indices = #map1}]} {
    %mul3A = arith.constant 2 : i32
    %mul3A_0 = arith.muli %arg1, %mul3A : i32
    %add3A = arith.addi %mul3A_0, %arg0 : i32
    "tpu.region"() ({
      %run_scoped3A = memref.alloca() : memref<10000xi32, #tpu.memory_space<vmem>>
      %run_scoped3A_1 = memref.alloca() : memref<10000xi32, #tpu.memory_space<vmem>>
      %run_scoped3A_2 = memref.alloca() : memref<10000xf32, #tpu.memory_space<vmem>>
      %run_scoped3A_3 = memref.alloca() : memref<10240xf32, #tpu.memory_space<vmem>>
      %run_scoped3A_4 = memref.alloca() : memref<16x640xf32, #tpu.memory_space<vmem>>
      %run_scoped3A_5 = memref.alloca() : memref<640xf32, #tpu.memory_space<vmem>>
      %run_scoped3A_6 = tpu.sem_alloc : memref<!tpu.dma_semaphore, #tpu.memory_space<semaphore_mem>>
      %dma_start3A = arith.constant 0 : i32
      %dma_start3A_7 = tpu.memref_slice %arg4[%add3A, %dma_start3A] : memref<32x10000xi32, #tpu.memory_space<hbm>> -> memref<1x10000xi32, #tpu.memory_space<hbm>>
      %dma_start3A_8 = tpu.memref_squeeze %dma_start3A_7 : memref<1x10000xi32, #tpu.memory_space<hbm>> -> memref<10000xi32, #tpu.memory_space<hbm>>
      %dma_start3A_9 = arith.constant 0 : i32
      %dma_start3A_10 = tpu.memref_slice %arg4[%add3A, %dma_start3A_9] : memref<32x10000xi32, #tpu.memory_space<hbm>> -> memref<1x10000xi32, #tpu.memory_space<hbm>>
      %dma_start3A_11 = tpu.memref_squeeze %dma_start3A_10 : memref<1x10000xi32, #tpu.memory_space<hbm>> -> memref<10000xi32, #tpu.memory_space<hbm>>
      tpu.enqueue_dma source(%dma_start3A_11 : memref<10000xi32, #tpu.memory_space<hbm>>) target(%run_scoped3A_1 : memref<10000xi32, #tpu.memory_space<vmem>>) target_semaphore(%run_scoped3A_6 : memref<!tpu.dma_semaphore, #tpu.memory_space<semaphore_mem>>)
      tpu.enqueue_dma source(%arg2 : memref<10000xf32, #tpu.memory_space<hbm>>) target(%run_scoped3A_2 : memref<10000xf32, #tpu.memory_space<vmem>>) target_semaphore(%run_scoped3A_6 : memref<!tpu.dma_semaphore, #tpu.memory_space<semaphore_mem>>)
      %dma_start3A_12 = arith.constant 0 : i32
      %dma_start3A_13 = tpu.memref_slice %arg3[%add3A, %dma_start3A_12] : memref<32x10000xi32, #tpu.memory_space<hbm>> -> memref<1x10000xi32, #tpu.memory_space<hbm>>
      %dma_start3A_14 = tpu.memref_squeeze %dma_start3A_13 : memref<1x10000xi32, #tpu.memory_space<hbm>> -> memref<10000xi32, #tpu.memory_space<hbm>>
      %dma_start3A_15 = arith.constant 0 : i32
      %dma_start3A_16 = tpu.memref_slice %arg3[%add3A, %dma_start3A_15] : memref<32x10000xi32, #tpu.memory_space<hbm>> -> memref<1x10000xi32, #tpu.memory_space<hbm>>
      %dma_start3A_17 = tpu.memref_squeeze %dma_start3A_16 : memref<1x10000xi32, #tpu.memory_space<hbm>> -> memref<10000xi32, #tpu.memory_space<hbm>>
      tpu.enqueue_dma source(%dma_start3A_17 : memref<10000xi32, #tpu.memory_space<hbm>>) target(%run_scoped3A : memref<10000xi32, #tpu.memory_space<vmem>>) target_semaphore(%run_scoped3A_6 : memref<!tpu.dma_semaphore, #tpu.memory_space<semaphore_mem>>)
      %scan3A = arith.constant 0 : i32
      %scan3A_18 = arith.constant 0 : i32
      %scan3A_19 = arith.constant 640 : i32
      %scan3A_20 = arith.addi %scan3A_18, %scan3A_19 : i32
      %scan3A_21 = arith.constant 1 : i32
      scf.for %scan3A_51 = %scan3A_18 to %scan3A_20 step %scan3A_21  : i32 {
        %broadcast_in_dim3A_52 = arith.constant 0.000000e+00 : f32
        %broadcast_in_dim3A_53 = vector.broadcast %broadcast_in_dim3A_52 : f32 to vector<16xf32>
        %mul3A_54 = arith.constant 16 : i32
        %mul3A_55 = arith.muli %scan3A_51, %mul3A_54 : i32
        %swap3A = arith.index_cast %mul3A_55 : i32 to index
        %swap3A_56 = tpu.vector_load %run_scoped3A_3[%swap3A] {strides = array<i32>} : memref<10240xf32, #tpu.memory_space<vmem>>, vector<16xf32>,
        tpu.vector_store %run_scoped3A_3[%swap3A], %broadcast_in_dim3A_53 {strides = array<i32>} : memref<10240xf32, #tpu.memory_space<vmem>>, vector<16xf32>,
      }
      %scan3A_22 = arith.constant 640 : i32
      %dma_wait3A = arith.constant 0 : i32
      %dma_wait3A_23 = tpu.memref_slice %arg4[%add3A, %dma_wait3A] : memref<32x10000xi32, #tpu.memory_space<hbm>> -> memref<1x10000xi32, #tpu.memory_space<hbm>>
      %dma_wait3A_24 = tpu.memref_squeeze %dma_wait3A_23 : memref<1x10000xi32, #tpu.memory_space<hbm>> -> memref<10000xi32, #tpu.memory_space<hbm>>
      %dma_wait3A_25 = arith.constant 0 : i32
      %dma_wait3A_26 = tpu.memref_slice %arg4[%add3A, %dma_wait3A_25] : memref<32x10000xi32, #tpu.memory_space<hbm>> -> memref<1x10000xi32, #tpu.memory_space<hbm>>
      %dma_wait3A_27 = tpu.memref_squeeze %dma_wait3A_26 : memref<1x10000xi32, #tpu.memory_space<hbm>> -> memref<10000xi32, #tpu.memory_space<hbm>>
      tpu.wait_dma2 semaphore(%run_scoped3A_6 : memref<!tpu.dma_semaphore, #tpu.memory_space<semaphore_mem>>) src(%dma_wait3A_27 : memref<10000xi32, #tpu.memory_space<hbm>>) dst(%run_scoped3A_1 : memref<10000xi32, #tpu.memory_space<vmem>>)
      tpu.wait_dma2 semaphore(%run_scoped3A_6 : memref<!tpu.dma_semaphore, #tpu.memory_space<semaphore_mem>>) src(%arg2 : memref<10000xf32, #tpu.memory_space<hbm>>) dst(%run_scoped3A_2 : memref<10000xf32, #tpu.memory_space<vmem>>)
      %dma_wait3A_28 = arith.constant 0 : i32
      %dma_wait3A_29 = tpu.memref_slice %arg3[%add3A, %dma_wait3A_28] : memref<32x10000xi32, #tpu.memory_space<hbm>> -> memref<1x10000xi32, #tpu.memory_space<hbm>>
      %dma_wait3A_30 = tpu.memref_squeeze %dma_wait3A_29 : memref<1x10000xi32, #tpu.memory_space<hbm>> -> memref<10000xi32, #tpu.memory_space<hbm>>
      %dma_wait3A_31 = arith.constant 0 : i32
      %dma_wait3A_32 = tpu.memref_slice %arg3[%add3A, %dma_wait3A_31] : memref<32x10000xi32, #tpu.memory_space<hbm>> -> memref<1x10000xi32, #tpu.memory_space<hbm>>
      %dma_wait3A_33 = tpu.memref_squeeze %dma_wait3A_32 : memref<1x10000xi32, #tpu.memory_space<hbm>> -> memref<10000xi32, #tpu.memory_space<hbm>>
      tpu.wait_dma2 semaphore(%run_scoped3A_6 : memref<!tpu.dma_semaphore, #tpu.memory_space<semaphore_mem>>) src(%dma_wait3A_33 : memref<10000xi32, #tpu.memory_space<hbm>>) dst(%run_scoped3A : memref<10000xi32, #tpu.memory_space<vmem>>)
      %broadcast_in_dim3A = arith.constant 1.000000e+00 : f32
      %broadcast_in_dim3A_34 = vector.broadcast %broadcast_in_dim3A : f32 to vector<16xf32>
      %scan3A_35 = arith.constant 0 : i32
      %scan3A_36 = arith.constant 0 : i32
      %scan3A_37 = arith.constant 625 : i32
      %scan3A_38 = arith.addi %scan3A_36, %scan3A_37 : i32
      %scan3A_39 = arith.constant 1 : i32
      scf.for %scan3A_51 = %scan3A_36 to %scan3A_38 step %scan3A_39  : i32 {
        %mul3A_52 = arith.constant 16 : i32
        %mul3A_53 = arith.muli %scan3A_51, %mul3A_52 : i32
        %get3A = arith.index_cast %mul3A_53 : i32 to index
        %get3A_54 = tpu.vector_load %run_scoped3A_1[%get3A] {strides = array<i32>} : memref<10000xi32, #tpu.memory_space<vmem>>, vector<16xi32>,
        %mul3A_55 = arith.constant 16 : i32
        %mul3A_56 = arith.muli %scan3A_51, %mul3A_55 : i32
        %get3A_57 = arith.index_cast %mul3A_56 : i32 to index
        %get3A_58 = tpu.vector_load %run_scoped3A[%get3A_57] {strides = array<i32>} : memref<10000xi32, #tpu.memory_space<vmem>>, vector<16xi32>,
        %gather3A = tpu.vector_load_idx %run_scoped3A_2[%get3A_58] : memref<10000xf32, #tpu.memory_space<vmem>>[vector<16xi32>], vector<16xf32>,
        tpu.vector_store_idx %run_scoped3A_3[%get3A_54], %gather3A {add = true} : memref<10240xf32, #tpu.memory_space<vmem>>[vector<16xi32>], vector<16xf32>,
      }
      %scan3A_40 = arith.constant 625 : i32
      "tpu.region"() ({
        %run_scoped3A_51 = tpu.sem_alloc : memref<!tpu.dma_semaphore, #tpu.memory_space<semaphore_mem>>
        %dma_start3A_52 = arith.constant 0 : i32
        %dma_start3A_53 = tpu.memref_slice %arg6[%arg1, %dma_start3A_52] : memref<16x10240xf32, #tpu.memory_space<vmem_shared>> -> memref<1x10240xf32, #tpu.memory_space<vmem_shared>>
        %dma_start3A_54 = tpu.memref_squeeze %dma_start3A_53 : memref<1x10240xf32, #tpu.memory_space<vmem_shared>> -> memref<10240xf32, #tpu.memory_space<vmem_shared>>
        %dma_start3A_55 = arith.constant 0 : i32
        %dma_start3A_56 = tpu.memref_slice %arg6[%arg1, %dma_start3A_55] : memref<16x10240xf32, #tpu.memory_space<vmem_shared>> -> memref<1x10240xf32, #tpu.memory_space<vmem_shared>>
        %dma_start3A_57 = tpu.memref_squeeze %dma_start3A_56 : memref<1x10240xf32, #tpu.memory_space<vmem_shared>> -> memref<10240xf32, #tpu.memory_space<vmem_shared>>
        tpu.enqueue_dma source(%run_scoped3A_3 : memref<10240xf32, #tpu.memory_space<vmem>>) target(%dma_start3A_57 : memref<10240xf32, #tpu.memory_space<vmem_shared>>) target_semaphore(%run_scoped3A_51 : memref<!tpu.dma_semaphore, #tpu.memory_space<semaphore_mem>>)
        %dma_wait3A_58 = arith.constant 0 : i32
        %dma_wait3A_59 = tpu.memref_slice %arg6[%arg1, %dma_wait3A_58] : memref<16x10240xf32, #tpu.memory_space<vmem_shared>> -> memref<1x10240xf32, #tpu.memory_space<vmem_shared>>
        %dma_wait3A_60 = tpu.memref_squeeze %dma_wait3A_59 : memref<1x10240xf32, #tpu.memory_space<vmem_shared>> -> memref<10240xf32, #tpu.memory_space<vmem_shared>>
        %dma_wait3A_61 = arith.constant 0 : i32
        %dma_wait3A_62 = tpu.memref_slice %arg6[%arg1, %dma_wait3A_61] : memref<16x10240xf32, #tpu.memory_space<vmem_shared>> -> memref<1x10240xf32, #tpu.memory_space<vmem_shared>>
        %dma_wait3A_63 = tpu.memref_squeeze %dma_wait3A_62 : memref<1x10240xf32, #tpu.memory_space<vmem_shared>> -> memref<10240xf32, #tpu.memory_space<vmem_shared>>
        tpu.wait_dma2 semaphore(%run_scoped3A_51 : memref<!tpu.dma_semaphore, #tpu.memory_space<semaphore_mem>>) src(%run_scoped3A_3 : memref<10240xf32, #tpu.memory_space<vmem>>) dst(%dma_wait3A_63 : memref<10240xf32, #tpu.memory_space<vmem_shared>>)
        tpu.yield
      }) : () -> ()
      %barrier3A = arith.constant 0 : index
      tpu.barrier barrier_id(%barrier3A)
      %mul3A_41 = arith.constant 640 : i32
      %mul3A_42 = arith.muli %arg1, %mul3A_41 : i32
      "tpu.region"() ({
        %run_scoped3A_51 = tpu.sem_alloc : memref<!tpu.dma_semaphore, #tpu.memory_space<semaphore_mem>>
        %dma_start3A_52 = arith.constant 0 : i32
        %dma_start3A_53 = tpu.memref_slice %arg6[%dma_start3A_52, %mul3A_42] : memref<16x10240xf32, #tpu.memory_space<vmem_shared>> -> memref<16x640xf32, #tpu.memory_space<vmem_shared>>
        %dma_start3A_54 = arith.constant 0 : i32
        %dma_start3A_55 = tpu.memref_slice %arg6[%dma_start3A_54, %mul3A_42] : memref<16x10240xf32, #tpu.memory_space<vmem_shared>> -> memref<16x640xf32, #tpu.memory_space<vmem_shared>>
        tpu.enqueue_dma source(%dma_start3A_55 : memref<16x640xf32, #tpu.memory_space<vmem_shared>>) target(%run_scoped3A_4 : memref<16x640xf32, #tpu.memory_space<vmem>>) target_semaphore(%run_scoped3A_51 : memref<!tpu.dma_semaphore, #tpu.memory_space<semaphore_mem>>)
        %dma_wait3A_56 = arith.constant 0 : i32
        %dma_wait3A_57 = tpu.memref_slice %arg6[%dma_wait3A_56, %mul3A_42] : memref<16x10240xf32, #tpu.memory_space<vmem_shared>> -> memref<16x640xf32, #tpu.memory_space<vmem_shared>>
        %dma_wait3A_58 = arith.constant 0 : i32
        %dma_wait3A_59 = tpu.memref_slice %arg6[%dma_wait3A_58, %mul3A_42] : memref<16x10240xf32, #tpu.memory_space<vmem_shared>> -> memref<16x640xf32, #tpu.memory_space<vmem_shared>>
        tpu.wait_dma2 semaphore(%run_scoped3A_51 : memref<!tpu.dma_semaphore, #tpu.memory_space<semaphore_mem>>) src(%dma_wait3A_59 : memref<16x640xf32, #tpu.memory_space<vmem_shared>>) dst(%run_scoped3A_4 : memref<16x640xf32, #tpu.memory_space<vmem>>)
        tpu.yield
      }) : () -> ()
      %scan3A_43 = arith.constant 0 : i32
      %scan3A_44 = arith.constant 0 : i32
      %scan3A_45 = arith.constant 40 : i32
      %scan3A_46 = arith.addi %scan3A_44, %scan3A_45 : i32
      %scan3A_47 = arith.constant 1 : i32
      scf.for %scan3A_51 = %scan3A_44 to %scan3A_46 step %scan3A_47  : i32 {
        %mul3A_52 = arith.constant 16 : i32
        %mul3A_53 = arith.muli %scan3A_51, %mul3A_52 : i32
        %get3A = arith.constant 0 : i32
        %get3A_54 = arith.index_cast %get3A : i32 to index
        %get3A_55 = arith.index_cast %mul3A_53 : i32 to index
        %get3A_56 = tpu.vector_load %run_scoped3A_4[%get3A_54, %get3A_55] {strides = array<i32>} : memref<16x640xf32, #tpu.memory_space<vmem>>, vector<16xf32>,
        %mul3A_57 = arith.constant 16 : i32
        %mul3A_58 = arith.muli %scan3A_51, %mul3A_57 : i32
        %get3A_59 = arith.constant 1 : i32
        %get3A_60 = arith.index_cast %get3A_59 : i32 to index
        %get3A_61 = arith.index_cast %mul3A_58 : i32 to index
        %get3A_62 = tpu.vector_load %run_scoped3A_4[%get3A_60, %get3A_61] {strides = array<i32>} : memref<16x640xf32, #tpu.memory_space<vmem>>, vector<16xf32>,
        %add3A_63 = arith.addf %get3A_56, %get3A_62 : vector<16xf32>
        %mul3A_64 = arith.constant 16 : i32
        %mul3A_65 = arith.muli %scan3A_51, %mul3A_64 : i32
        %get3A_66 = arith.constant 2 : i32
        %get3A_67 = arith.index_cast %get3A_66 : i32 to index
        %get3A_68 = arith.index_cast %mul3A_65 : i32 to index
        %get3A_69 = tpu.vector_load %run_scoped3A_4[%get3A_67, %get3A_68] {strides = array<i32>} : memref<16x640xf32, #tpu.memory_space<vmem>>, vector<16xf32>,
        %add3A_70 = arith.addf %add3A_63, %get3A_69 : vector<16xf32>
        %mul3A_71 = arith.constant 16 : i32
        %mul3A_72 = arith.muli %scan3A_51, %mul3A_71 : i32
        %get3A_73 = arith.constant 3 : i32
        %get3A_74 = arith.index_cast %get3A_73 : i32 to index
        %get3A_75 = arith.index_cast %mul3A_72 : i32 to index
        %get3A_76 = tpu.vector_load %run_scoped3A_4[%get3A_74, %get3A_75] {strides = array<i32>} : memref<16x640xf32, #tpu.memory_space<vmem>>, vector<16xf32>,
        %add3A_77 = arith.addf %add3A_70, %get3A_76 : vector<16xf32>
        %mul3A_78 = arith.constant 16 : i32
        %mul3A_79 = arith.muli %scan3A_51, %mul3A_78 : i32
        %get3A_80 = arith.constant 4 : i32
        %get3A_81 = arith.index_cast %get3A_80 : i32 to index
        %get3A_82 = arith.index_cast %mul3A_79 : i32 to index
        %get3A_83 = tpu.vector_load %run_scoped3A_4[%get3A_81, %get3A_82] {strides = array<i32>} : memref<16x640xf32, #tpu.memory_space<vmem>>, vector<16xf32>,
        %add3A_84 = arith.addf %add3A_77, %get3A_83 : vector<16xf32>
        %mul3A_85 = arith.constant 16 : i32
        %mul3A_86 = arith.muli %scan3A_51, %mul3A_85 : i32
        %get3A_87 = arith.constant 5 : i32
        %get3A_88 = arith.index_cast %get3A_87 : i32 to index
        %get3A_89 = arith.index_cast %mul3A_86 : i32 to index
        %get3A_90 = tpu.vector_load %run_scoped3A_4[%get3A_88, %get3A_89] {strides = array<i32>} : memref<16x640xf32, #tpu.memory_space<vmem>>, vector<16xf32>,
        %add3A_91 = arith.addf %add3A_84, %get3A_90 : vector<16xf32>
        %mul3A_92 = arith.constant 16 : i32
        %mul3A_93 = arith.muli %scan3A_51, %mul3A_92 : i32
        %get3A_94 = arith.constant 6 : i32
        %get3A_95 = arith.index_cast %get3A_94 : i32 to index
        %get3A_96 = arith.index_cast %mul3A_93 : i32 to index
        %get3A_97 = tpu.vector_load %run_scoped3A_4[%get3A_95, %get3A_96] {strides = array<i32>} : memref<16x640xf32, #tpu.memory_space<vmem>>, vector<16xf32>,
        %add3A_98 = arith.addf %add3A_91, %get3A_97 : vector<16xf32>
        %mul3A_99 = arith.constant 16 : i32
        %mul3A_100 = arith.muli %scan3A_51, %mul3A_99 : i32
        %get3A_101 = arith.constant 7 : i32
        %get3A_102 = arith.index_cast %get3A_101 : i32 to index
        %get3A_103 = arith.index_cast %mul3A_100 : i32 to index
        %get3A_104 = tpu.vector_load %run_scoped3A_4[%get3A_102, %get3A_103] {strides = array<i32>} : memref<16x640xf32, #tpu.memory_space<vmem>>, vector<16xf32>,
        %add3A_105 = arith.addf %add3A_98, %get3A_104 : vector<16xf32>
        %mul3A_106 = arith.constant 16 : i32
        %mul3A_107 = arith.muli %scan3A_51, %mul3A_106 : i32
        %get3A_108 = arith.constant 8 : i32
        %get3A_109 = arith.index_cast %get3A_108 : i32 to index
        %get3A_110 = arith.index_cast %mul3A_107 : i32 to index
        %get3A_111 = tpu.vector_load %run_scoped3A_4[%get3A_109, %get3A_110] {strides = array<i32>} : memref<16x640xf32, #tpu.memory_space<vmem>>, vector<16xf32>,
        %add3A_112 = arith.addf %add3A_105, %get3A_111 : vector<16xf32>
        %mul3A_113 = arith.constant 16 : i32
        %mul3A_114 = arith.muli %scan3A_51, %mul3A_113 : i32
        %get3A_115 = arith.constant 9 : i32
        %get3A_116 = arith.index_cast %get3A_115 : i32 to index
        %get3A_117 = arith.index_cast %mul3A_114 : i32 to index
        %get3A_118 = tpu.vector_load %run_scoped3A_4[%get3A_116, %get3A_117] {strides = array<i32>} : memref<16x640xf32, #tpu.memory_space<vmem>>, vector<16xf32>,
        %add3A_119 = arith.addf %add3A_112, %get3A_118 : vector<16xf32>
        %mul3A_120 = arith.constant 16 : i32
        %mul3A_121 = arith.muli %scan3A_51, %mul3A_120 : i32
        %get3A_122 = arith.constant 10 : i32
        %get3A_123 = arith.index_cast %get3A_122 : i32 to index
        %get3A_124 = arith.index_cast %mul3A_121 : i32 to index
        %get3A_125 = tpu.vector_load %run_scoped3A_4[%get3A_123, %get3A_124] {strides = array<i32>} : memref<16x640xf32, #tpu.memory_space<vmem>>, vector<16xf32>,
        %add3A_126 = arith.addf %add3A_119, %get3A_125 : vector<16xf32>
        %mul3A_127 = arith.constant 16 : i32
        %mul3A_128 = arith.muli %scan3A_51, %mul3A_127 : i32
        %get3A_129 = arith.constant 11 : i32
        %get3A_130 = arith.index_cast %get3A_129 : i32 to index
        %get3A_131 = arith.index_cast %mul3A_128 : i32 to index
        %get3A_132 = tpu.vector_load %run_scoped3A_4[%get3A_130, %get3A_131] {strides = array<i32>} : memref<16x640xf32, #tpu.memory_space<vmem>>, vector<16xf32>,
        %add3A_133 = arith.addf %add3A_126, %get3A_132 : vector<16xf32>
        %mul3A_134 = arith.constant 16 : i32
        %mul3A_135 = arith.muli %scan3A_51, %mul3A_134 : i32
        %get3A_136 = arith.constant 12 : i32
        %get3A_137 = arith.index_cast %get3A_136 : i32 to index
        %get3A_138 = arith.index_cast %mul3A_135 : i32 to index
        %get3A_139 = tpu.vector_load %run_scoped3A_4[%get3A_137, %get3A_138] {strides = array<i32>} : memref<16x640xf32, #tpu.memory_space<vmem>>, vector<16xf32>,
        %add3A_140 = arith.addf %add3A_133, %get3A_139 : vector<16xf32>
        %mul3A_141 = arith.constant 16 : i32
        %mul3A_142 = arith.muli %scan3A_51, %mul3A_141 : i32
        %get3A_143 = arith.constant 13 : i32
        %get3A_144 = arith.index_cast %get3A_143 : i32 to index
        %get3A_145 = arith.index_cast %mul3A_142 : i32 to index
        %get3A_146 = tpu.vector_load %run_scoped3A_4[%get3A_144, %get3A_145] {strides = array<i32>} : memref<16x640xf32, #tpu.memory_space<vmem>>, vector<16xf32>,
        %add3A_147 = arith.addf %add3A_140, %get3A_146 : vector<16xf32>
        %mul3A_148 = arith.constant 16 : i32
        %mul3A_149 = arith.muli %scan3A_51, %mul3A_148 : i32
        %get3A_150 = arith.constant 14 : i32
        %get3A_151 = arith.index_cast %get3A_150 : i32 to index
        %get3A_152 = arith.index_cast %mul3A_149 : i32 to index
        %get3A_153 = tpu.vector_load %run_scoped3A_4[%get3A_151, %get3A_152] {strides = array<i32>} : memref<16x640xf32, #tpu.memory_space<vmem>>, vector<16xf32>,
        %add3A_154 = arith.addf %add3A_147, %get3A_153 : vector<16xf32>
        %mul3A_155 = arith.constant 16 : i32
        %mul3A_156 = arith.muli %scan3A_51, %mul3A_155 : i32
        %get3A_157 = arith.constant 15 : i32
        %get3A_158 = arith.index_cast %get3A_157 : i32 to index
        %get3A_159 = arith.index_cast %mul3A_156 : i32 to index
        %get3A_160 = tpu.vector_load %run_scoped3A_4[%get3A_158, %get3A_159] {strides = array<i32>} : memref<16x640xf32, #tpu.memory_space<vmem>>, vector<16xf32>,
        %add3A_161 = arith.addf %add3A_154, %get3A_160 : vector<16xf32>
        %mul3A_162 = arith.constant 16 : i32
        %mul3A_163 = arith.muli %scan3A_51, %mul3A_162 : i32
        %swap3A = arith.index_cast %mul3A_163 : i32 to index
        %swap3A_164 = tpu.vector_load %run_scoped3A_5[%swap3A] {strides = array<i32>} : memref<640xf32, #tpu.memory_space<vmem>>, vector<16xf32>,
        tpu.vector_store %run_scoped3A_5[%swap3A], %add3A_161 {strides = array<i32>} : memref<640xf32, #tpu.memory_space<vmem>>, vector<16xf32>,
      }
      %scan3A_48 = arith.constant 40 : i32
      %mul3A_49 = arith.constant 640 : i32
      %mul3A_50 = arith.muli %arg1, %mul3A_49 : i32
      "tpu.region"() ({
        %run_scoped3A_51 = tpu.sem_alloc : memref<!tpu.dma_semaphore, #tpu.memory_space<semaphore_mem>>
        %dma_start3A_52 = tpu.memref_slice %arg5[%arg0, %mul3A_50] : memref<2x10240xf32, #tpu.memory_space<hbm>> -> memref<1x640xf32, #tpu.memory_space<hbm>>
        %dma_start3A_53 = tpu.memref_squeeze %dma_start3A_52 : memref<1x640xf32, #tpu.memory_space<hbm>> -> memref<640xf32, #tpu.memory_space<hbm>>
        %dma_start3A_54 = tpu.memref_slice %arg5[%arg0, %mul3A_50] : memref<2x10240xf32, #tpu.memory_space<hbm>> -> memref<1x640xf32, #tpu.memory_space<hbm>>
        %dma_start3A_55 = tpu.memref_squeeze %dma_start3A_54 : memref<1x640xf32, #tpu.memory_space<hbm>> -> memref<640xf32, #tpu.memory_space<hbm>>
        tpu.enqueue_dma source(%run_scoped3A_5 : memref<640xf32, #tpu.memory_space<vmem>>) target(%dma_start3A_55 : memref<640xf32, #tpu.memory_space<hbm>>) target_semaphore(%run_scoped3A_51 : memref<!tpu.dma_semaphore, #tpu.memory_space<semaphore_mem>>)
        %dma_wait3A_56 = tpu.memref_slice %arg5[%arg0, %mul3A_50] : memref<2x10240xf32, #tpu.memory_space<hbm>> -> memref<1x640xf32, #tpu.memory_space<hbm>>
        %dma_wait3A_57 = tpu.memref_squeeze %dma_wait3A_56 : memref<1x640xf32, #tpu.memory_space<hbm>> -> memref<640xf32, #tpu.memory_space<hbm>>
        %dma_wait3A_58 = tpu.memref_slice %arg5[%arg0, %mul3A_50] : memref<2x10240xf32, #tpu.memory_space<hbm>> -> memref<1x640xf32, #tpu.memory_space<hbm>>
        %dma_wait3A_59 = tpu.memref_squeeze %dma_wait3A_58 : memref<1x640xf32, #tpu.memory_space<hbm>> -> memref<640xf32, #tpu.memory_space<hbm>>
        tpu.wait_dma2 semaphore(%run_scoped3A_51 : memref<!tpu.dma_semaphore, #tpu.memory_space<semaphore_mem>>) src(%run_scoped3A_5 : memref<640xf32, #tpu.memory_space<vmem>>) dst(%dma_wait3A_59 : memref<640xf32, #tpu.memory_space<hbm>>)
        tpu.yield
      }) : () -> ()
      tpu.yield
    }) : () -> ()
    return
  }
}

#map = affine_map<(d0, d1) -> (0, 0)>
#map1 = affine_map<(d0, d1) -> (0)>
module attributes {stable_mosaic.version = 14 : i64} {
  func.func @_sc_degree(%arg0: i32, %arg1: i32, %arg2: memref<32x10000xi32, #tpu.memory_space<hbm>>, %arg3: memref<10000xf32, #tpu.memory_space<hbm>>, %arg4: memref<32x10000xi32, #tpu.memory_space<hbm>>, %arg5: memref<2x10240xf32, #tpu.memory_space<hbm>>, %arg6: memref<16x10240xf32, #tpu.memory_space<vmem_shared>>) attributes {dimension_semantics = [#tpu.dimension_semantics<core_parallel>, #tpu.dimension_semantics<subcore_parallel>], iteration_bounds = array<i64: 2, 16>, scalar_prefetch = 0 : i64, scratch_operands = 1 : i64, tpu.core_type = #tpu.core_type<sc_vector_subcore>, window_params = [{transform_indices = #map}, {transform_indices = #map1}, {transform_indices = #map}, {transform_indices = #map}]} {
    %mul3A = arith.constant 2 : i32
    %mul3A_0 = arith.muli %arg1, %mul3A : i32
    %add3A = arith.addi %mul3A_0, %arg0 : i32
    "tpu.region"() ({
      %run_scoped3A = memref.alloca() : memref<10000xi32, #tpu.memory_space<vmem>>
      %run_scoped3A_1 = memref.alloca() : memref<10000xi32, #tpu.memory_space<vmem>>
      %run_scoped3A_2 = memref.alloca() : memref<10000xf32, #tpu.memory_space<vmem>>
      %run_scoped3A_3 = memref.alloca() : memref<10240xf32, #tpu.memory_space<vmem>>
      %run_scoped3A_4 = memref.alloca() : memref<16x640xf32, #tpu.memory_space<vmem>>
      %run_scoped3A_5 = memref.alloca() : memref<640xf32, #tpu.memory_space<vmem>>
      %run_scoped3A_6 = tpu.sem_alloc : memref<!tpu.dma_semaphore, #tpu.memory_space<semaphore_mem>>
      %dma_start3A = arith.constant 0 : i32
      %dma_start3A_7 = tpu.memref_slice %arg2[%add3A, %dma_start3A] : memref<32x10000xi32, #tpu.memory_space<hbm>> -> memref<1x10000xi32, #tpu.memory_space<hbm>>
      %dma_start3A_8 = tpu.memref_squeeze %dma_start3A_7 : memref<1x10000xi32, #tpu.memory_space<hbm>> -> memref<10000xi32, #tpu.memory_space<hbm>>
      %dma_start3A_9 = arith.constant 0 : i32
      %dma_start3A_10 = tpu.memref_slice %arg2[%add3A, %dma_start3A_9] : memref<32x10000xi32, #tpu.memory_space<hbm>> -> memref<1x10000xi32, #tpu.memory_space<hbm>>
      %dma_start3A_11 = tpu.memref_squeeze %dma_start3A_10 : memref<1x10000xi32, #tpu.memory_space<hbm>> -> memref<10000xi32, #tpu.memory_space<hbm>>
      tpu.enqueue_dma source(%dma_start3A_11 : memref<10000xi32, #tpu.memory_space<hbm>>) target(%run_scoped3A_1 : memref<10000xi32, #tpu.memory_space<vmem>>) target_semaphore(%run_scoped3A_6 : memref<!tpu.dma_semaphore, #tpu.memory_space<semaphore_mem>>)
      %scan3A = arith.constant 0 : i32
      %scan3A_12 = arith.constant 0 : i32
      %scan3A_13 = arith.constant 640 : i32
      %scan3A_14 = arith.addi %scan3A_12, %scan3A_13 : i32
      %scan3A_15 = arith.constant 1 : i32
      scf.for %scan3A_39 = %scan3A_12 to %scan3A_14 step %scan3A_15  : i32 {
        %broadcast_in_dim3A_40 = arith.constant 0.000000e+00 : f32
        %broadcast_in_dim3A_41 = vector.broadcast %broadcast_in_dim3A_40 : f32 to vector<16xf32>
        %mul3A_42 = arith.constant 16 : i32
        %mul3A_43 = arith.muli %scan3A_39, %mul3A_42 : i32
        %swap3A = arith.index_cast %mul3A_43 : i32 to index
        %swap3A_44 = tpu.vector_load %run_scoped3A_3[%swap3A] {strides = array<i32>} : memref<10240xf32, #tpu.memory_space<vmem>>, vector<16xf32>,
        tpu.vector_store %run_scoped3A_3[%swap3A], %broadcast_in_dim3A_41 {strides = array<i32>} : memref<10240xf32, #tpu.memory_space<vmem>>, vector<16xf32>,
      }
      %scan3A_16 = arith.constant 640 : i32
      %dma_wait3A = arith.constant 0 : i32
      %dma_wait3A_17 = tpu.memref_slice %arg2[%add3A, %dma_wait3A] : memref<32x10000xi32, #tpu.memory_space<hbm>> -> memref<1x10000xi32, #tpu.memory_space<hbm>>
      %dma_wait3A_18 = tpu.memref_squeeze %dma_wait3A_17 : memref<1x10000xi32, #tpu.memory_space<hbm>> -> memref<10000xi32, #tpu.memory_space<hbm>>
      %dma_wait3A_19 = arith.constant 0 : i32
      %dma_wait3A_20 = tpu.memref_slice %arg2[%add3A, %dma_wait3A_19] : memref<32x10000xi32, #tpu.memory_space<hbm>> -> memref<1x10000xi32, #tpu.memory_space<hbm>>
      %dma_wait3A_21 = tpu.memref_squeeze %dma_wait3A_20 : memref<1x10000xi32, #tpu.memory_space<hbm>> -> memref<10000xi32, #tpu.memory_space<hbm>>
      tpu.wait_dma2 semaphore(%run_scoped3A_6 : memref<!tpu.dma_semaphore, #tpu.memory_space<semaphore_mem>>) src(%dma_wait3A_21 : memref<10000xi32, #tpu.memory_space<hbm>>) dst(%run_scoped3A_1 : memref<10000xi32, #tpu.memory_space<vmem>>)
      %broadcast_in_dim3A = arith.constant 1.000000e+00 : f32
      %broadcast_in_dim3A_22 = vector.broadcast %broadcast_in_dim3A : f32 to vector<16xf32>
      %scan3A_23 = arith.constant 0 : i32
      %scan3A_24 = arith.constant 0 : i32
      %scan3A_25 = arith.constant 625 : i32
      %scan3A_26 = arith.addi %scan3A_24, %scan3A_25 : i32
      %scan3A_27 = arith.constant 1 : i32
      scf.for %scan3A_39 = %scan3A_24 to %scan3A_26 step %scan3A_27  : i32 {
        %mul3A_40 = arith.constant 16 : i32
        %mul3A_41 = arith.muli %scan3A_39, %mul3A_40 : i32
        %get3A = arith.index_cast %mul3A_41 : i32 to index
        %get3A_42 = tpu.vector_load %run_scoped3A_1[%get3A] {strides = array<i32>} : memref<10000xi32, #tpu.memory_space<vmem>>, vector<16xi32>,
        tpu.vector_store_idx %run_scoped3A_3[%get3A_42], %broadcast_in_dim3A_22 {add = true} : memref<10240xf32, #tpu.memory_space<vmem>>[vector<16xi32>], vector<16xf32>,
      }
      %scan3A_28 = arith.constant 625 : i32
      "tpu.region"() ({
        %run_scoped3A_39 = tpu.sem_alloc : memref<!tpu.dma_semaphore, #tpu.memory_space<semaphore_mem>>
        %dma_start3A_40 = arith.constant 0 : i32
        %dma_start3A_41 = tpu.memref_slice %arg6[%arg1, %dma_start3A_40] : memref<16x10240xf32, #tpu.memory_space<vmem_shared>> -> memref<1x10240xf32, #tpu.memory_space<vmem_shared>>
        %dma_start3A_42 = tpu.memref_squeeze %dma_start3A_41 : memref<1x10240xf32, #tpu.memory_space<vmem_shared>> -> memref<10240xf32, #tpu.memory_space<vmem_shared>>
        %dma_start3A_43 = arith.constant 0 : i32
        %dma_start3A_44 = tpu.memref_slice %arg6[%arg1, %dma_start3A_43] : memref<16x10240xf32, #tpu.memory_space<vmem_shared>> -> memref<1x10240xf32, #tpu.memory_space<vmem_shared>>
        %dma_start3A_45 = tpu.memref_squeeze %dma_start3A_44 : memref<1x10240xf32, #tpu.memory_space<vmem_shared>> -> memref<10240xf32, #tpu.memory_space<vmem_shared>>
        tpu.enqueue_dma source(%run_scoped3A_3 : memref<10240xf32, #tpu.memory_space<vmem>>) target(%dma_start3A_45 : memref<10240xf32, #tpu.memory_space<vmem_shared>>) target_semaphore(%run_scoped3A_39 : memref<!tpu.dma_semaphore, #tpu.memory_space<semaphore_mem>>)
        %dma_wait3A_46 = arith.constant 0 : i32
        %dma_wait3A_47 = tpu.memref_slice %arg6[%arg1, %dma_wait3A_46] : memref<16x10240xf32, #tpu.memory_space<vmem_shared>> -> memref<1x10240xf32, #tpu.memory_space<vmem_shared>>
        %dma_wait3A_48 = tpu.memref_squeeze %dma_wait3A_47 : memref<1x10240xf32, #tpu.memory_space<vmem_shared>> -> memref<10240xf32, #tpu.memory_space<vmem_shared>>
        %dma_wait3A_49 = arith.constant 0 : i32
        %dma_wait3A_50 = tpu.memref_slice %arg6[%arg1, %dma_wait3A_49] : memref<16x10240xf32, #tpu.memory_space<vmem_shared>> -> memref<1x10240xf32, #tpu.memory_space<vmem_shared>>
        %dma_wait3A_51 = tpu.memref_squeeze %dma_wait3A_50 : memref<1x10240xf32, #tpu.memory_space<vmem_shared>> -> memref<10240xf32, #tpu.memory_space<vmem_shared>>
        tpu.wait_dma2 semaphore(%run_scoped3A_39 : memref<!tpu.dma_semaphore, #tpu.memory_space<semaphore_mem>>) src(%run_scoped3A_3 : memref<10240xf32, #tpu.memory_space<vmem>>) dst(%dma_wait3A_51 : memref<10240xf32, #tpu.memory_space<vmem_shared>>)
        tpu.yield
      }) : () -> ()
      %barrier3A = arith.constant 0 : index
      tpu.barrier barrier_id(%barrier3A)
      %mul3A_29 = arith.constant 640 : i32
      %mul3A_30 = arith.muli %arg1, %mul3A_29 : i32
      "tpu.region"() ({
        %run_scoped3A_39 = tpu.sem_alloc : memref<!tpu.dma_semaphore, #tpu.memory_space<semaphore_mem>>
        %dma_start3A_40 = arith.constant 0 : i32
        %dma_start3A_41 = tpu.memref_slice %arg6[%dma_start3A_40, %mul3A_30] : memref<16x10240xf32, #tpu.memory_space<vmem_shared>> -> memref<16x640xf32, #tpu.memory_space<vmem_shared>>
        %dma_start3A_42 = arith.constant 0 : i32
        %dma_start3A_43 = tpu.memref_slice %arg6[%dma_start3A_42, %mul3A_30] : memref<16x10240xf32, #tpu.memory_space<vmem_shared>> -> memref<16x640xf32, #tpu.memory_space<vmem_shared>>
        tpu.enqueue_dma source(%dma_start3A_43 : memref<16x640xf32, #tpu.memory_space<vmem_shared>>) target(%run_scoped3A_4 : memref<16x640xf32, #tpu.memory_space<vmem>>) target_semaphore(%run_scoped3A_39 : memref<!tpu.dma_semaphore, #tpu.memory_space<semaphore_mem>>)
        %dma_wait3A_44 = arith.constant 0 : i32
        %dma_wait3A_45 = tpu.memref_slice %arg6[%dma_wait3A_44, %mul3A_30] : memref<16x10240xf32, #tpu.memory_space<vmem_shared>> -> memref<16x640xf32, #tpu.memory_space<vmem_shared>>
        %dma_wait3A_46 = arith.constant 0 : i32
        %dma_wait3A_47 = tpu.memref_slice %arg6[%dma_wait3A_46, %mul3A_30] : memref<16x10240xf32, #tpu.memory_space<vmem_shared>> -> memref<16x640xf32, #tpu.memory_space<vmem_shared>>
        tpu.wait_dma2 semaphore(%run_scoped3A_39 : memref<!tpu.dma_semaphore, #tpu.memory_space<semaphore_mem>>) src(%dma_wait3A_47 : memref<16x640xf32, #tpu.memory_space<vmem_shared>>) dst(%run_scoped3A_4 : memref<16x640xf32, #tpu.memory_space<vmem>>)
        tpu.yield
      }) : () -> ()
      %scan3A_31 = arith.constant 0 : i32
      %scan3A_32 = arith.constant 0 : i32
      %scan3A_33 = arith.constant 40 : i32
      %scan3A_34 = arith.addi %scan3A_32, %scan3A_33 : i32
      %scan3A_35 = arith.constant 1 : i32
      scf.for %scan3A_39 = %scan3A_32 to %scan3A_34 step %scan3A_35  : i32 {
        %mul3A_40 = arith.constant 16 : i32
        %mul3A_41 = arith.muli %scan3A_39, %mul3A_40 : i32
        %get3A = arith.constant 0 : i32
        %get3A_42 = arith.index_cast %get3A : i32 to index
        %get3A_43 = arith.index_cast %mul3A_41 : i32 to index
        %get3A_44 = tpu.vector_load %run_scoped3A_4[%get3A_42, %get3A_43] {strides = array<i32>} : memref<16x640xf32, #tpu.memory_space<vmem>>, vector<16xf32>,
        %mul3A_45 = arith.constant 16 : i32
        %mul3A_46 = arith.muli %scan3A_39, %mul3A_45 : i32
        %get3A_47 = arith.constant 1 : i32
        %get3A_48 = arith.index_cast %get3A_47 : i32 to index
        %get3A_49 = arith.index_cast %mul3A_46 : i32 to index
        %get3A_50 = tpu.vector_load %run_scoped3A_4[%get3A_48, %get3A_49] {strides = array<i32>} : memref<16x640xf32, #tpu.memory_space<vmem>>, vector<16xf32>,
        %add3A_51 = arith.addf %get3A_44, %get3A_50 : vector<16xf32>
        %mul3A_52 = arith.constant 16 : i32
        %mul3A_53 = arith.muli %scan3A_39, %mul3A_52 : i32
        %get3A_54 = arith.constant 2 : i32
        %get3A_55 = arith.index_cast %get3A_54 : i32 to index
        %get3A_56 = arith.index_cast %mul3A_53 : i32 to index
        %get3A_57 = tpu.vector_load %run_scoped3A_4[%get3A_55, %get3A_56] {strides = array<i32>} : memref<16x640xf32, #tpu.memory_space<vmem>>, vector<16xf32>,
        %add3A_58 = arith.addf %add3A_51, %get3A_57 : vector<16xf32>
        %mul3A_59 = arith.constant 16 : i32
        %mul3A_60 = arith.muli %scan3A_39, %mul3A_59 : i32
        %get3A_61 = arith.constant 3 : i32
        %get3A_62 = arith.index_cast %get3A_61 : i32 to index
        %get3A_63 = arith.index_cast %mul3A_60 : i32 to index
        %get3A_64 = tpu.vector_load %run_scoped3A_4[%get3A_62, %get3A_63] {strides = array<i32>} : memref<16x640xf32, #tpu.memory_space<vmem>>, vector<16xf32>,
        %add3A_65 = arith.addf %add3A_58, %get3A_64 : vector<16xf32>
        %mul3A_66 = arith.constant 16 : i32
        %mul3A_67 = arith.muli %scan3A_39, %mul3A_66 : i32
        %get3A_68 = arith.constant 4 : i32
        %get3A_69 = arith.index_cast %get3A_68 : i32 to index
        %get3A_70 = arith.index_cast %mul3A_67 : i32 to index
        %get3A_71 = tpu.vector_load %run_scoped3A_4[%get3A_69, %get3A_70] {strides = array<i32>} : memref<16x640xf32, #tpu.memory_space<vmem>>, vector<16xf32>,
        %add3A_72 = arith.addf %add3A_65, %get3A_71 : vector<16xf32>
        %mul3A_73 = arith.constant 16 : i32
        %mul3A_74 = arith.muli %scan3A_39, %mul3A_73 : i32
        %get3A_75 = arith.constant 5 : i32
        %get3A_76 = arith.index_cast %get3A_75 : i32 to index
        %get3A_77 = arith.index_cast %mul3A_74 : i32 to index
        %get3A_78 = tpu.vector_load %run_scoped3A_4[%get3A_76, %get3A_77] {strides = array<i32>} : memref<16x640xf32, #tpu.memory_space<vmem>>, vector<16xf32>,
        %add3A_79 = arith.addf %add3A_72, %get3A_78 : vector<16xf32>
        %mul3A_80 = arith.constant 16 : i32
        %mul3A_81 = arith.muli %scan3A_39, %mul3A_80 : i32
        %get3A_82 = arith.constant 6 : i32
        %get3A_83 = arith.index_cast %get3A_82 : i32 to index
        %get3A_84 = arith.index_cast %mul3A_81 : i32 to index
        %get3A_85 = tpu.vector_load %run_scoped3A_4[%get3A_83, %get3A_84] {strides = array<i32>} : memref<16x640xf32, #tpu.memory_space<vmem>>, vector<16xf32>,
        %add3A_86 = arith.addf %add3A_79, %get3A_85 : vector<16xf32>
        %mul3A_87 = arith.constant 16 : i32
        %mul3A_88 = arith.muli %scan3A_39, %mul3A_87 : i32
        %get3A_89 = arith.constant 7 : i32
        %get3A_90 = arith.index_cast %get3A_89 : i32 to index
        %get3A_91 = arith.index_cast %mul3A_88 : i32 to index
        %get3A_92 = tpu.vector_load %run_scoped3A_4[%get3A_90, %get3A_91] {strides = array<i32>} : memref<16x640xf32, #tpu.memory_space<vmem>>, vector<16xf32>,
        %add3A_93 = arith.addf %add3A_86, %get3A_92 : vector<16xf32>
        %mul3A_94 = arith.constant 16 : i32
        %mul3A_95 = arith.muli %scan3A_39, %mul3A_94 : i32
        %get3A_96 = arith.constant 8 : i32
        %get3A_97 = arith.index_cast %get3A_96 : i32 to index
        %get3A_98 = arith.index_cast %mul3A_95 : i32 to index
        %get3A_99 = tpu.vector_load %run_scoped3A_4[%get3A_97, %get3A_98] {strides = array<i32>} : memref<16x640xf32, #tpu.memory_space<vmem>>, vector<16xf32>,
        %add3A_100 = arith.addf %add3A_93, %get3A_99 : vector<16xf32>
        %mul3A_101 = arith.constant 16 : i32
        %mul3A_102 = arith.muli %scan3A_39, %mul3A_101 : i32
        %get3A_103 = arith.constant 9 : i32
        %get3A_104 = arith.index_cast %get3A_103 : i32 to index
        %get3A_105 = arith.index_cast %mul3A_102 : i32 to index
        %get3A_106 = tpu.vector_load %run_scoped3A_4[%get3A_104, %get3A_105] {strides = array<i32>} : memref<16x640xf32, #tpu.memory_space<vmem>>, vector<16xf32>,
        %add3A_107 = arith.addf %add3A_100, %get3A_106 : vector<16xf32>
        %mul3A_108 = arith.constant 16 : i32
        %mul3A_109 = arith.muli %scan3A_39, %mul3A_108 : i32
        %get3A_110 = arith.constant 10 : i32
        %get3A_111 = arith.index_cast %get3A_110 : i32 to index
        %get3A_112 = arith.index_cast %mul3A_109 : i32 to index
        %get3A_113 = tpu.vector_load %run_scoped3A_4[%get3A_111, %get3A_112] {strides = array<i32>} : memref<16x640xf32, #tpu.memory_space<vmem>>, vector<16xf32>,
        %add3A_114 = arith.addf %add3A_107, %get3A_113 : vector<16xf32>
        %mul3A_115 = arith.constant 16 : i32
        %mul3A_116 = arith.muli %scan3A_39, %mul3A_115 : i32
        %get3A_117 = arith.constant 11 : i32
        %get3A_118 = arith.index_cast %get3A_117 : i32 to index
        %get3A_119 = arith.index_cast %mul3A_116 : i32 to index
        %get3A_120 = tpu.vector_load %run_scoped3A_4[%get3A_118, %get3A_119] {strides = array<i32>} : memref<16x640xf32, #tpu.memory_space<vmem>>, vector<16xf32>,
        %add3A_121 = arith.addf %add3A_114, %get3A_120 : vector<16xf32>
        %mul3A_122 = arith.constant 16 : i32
        %mul3A_123 = arith.muli %scan3A_39, %mul3A_122 : i32
        %get3A_124 = arith.constant 12 : i32
        %get3A_125 = arith.index_cast %get3A_124 : i32 to index
        %get3A_126 = arith.index_cast %mul3A_123 : i32 to index
        %get3A_127 = tpu.vector_load %run_scoped3A_4[%get3A_125, %get3A_126] {strides = array<i32>} : memref<16x640xf32, #tpu.memory_space<vmem>>, vector<16xf32>,
        %add3A_128 = arith.addf %add3A_121, %get3A_127 : vector<16xf32>
        %mul3A_129 = arith.constant 16 : i32
        %mul3A_130 = arith.muli %scan3A_39, %mul3A_129 : i32
        %get3A_131 = arith.constant 13 : i32
        %get3A_132 = arith.index_cast %get3A_131 : i32 to index
        %get3A_133 = arith.index_cast %mul3A_130 : i32 to index
        %get3A_134 = tpu.vector_load %run_scoped3A_4[%get3A_132, %get3A_133] {strides = array<i32>} : memref<16x640xf32, #tpu.memory_space<vmem>>, vector<16xf32>,
        %add3A_135 = arith.addf %add3A_128, %get3A_134 : vector<16xf32>
        %mul3A_136 = arith.constant 16 : i32
        %mul3A_137 = arith.muli %scan3A_39, %mul3A_136 : i32
        %get3A_138 = arith.constant 14 : i32
        %get3A_139 = arith.index_cast %get3A_138 : i32 to index
        %get3A_140 = arith.index_cast %mul3A_137 : i32 to index
        %get3A_141 = tpu.vector_load %run_scoped3A_4[%get3A_139, %get3A_140] {strides = array<i32>} : memref<16x640xf32, #tpu.memory_space<vmem>>, vector<16xf32>,
        %add3A_142 = arith.addf %add3A_135, %get3A_141 : vector<16xf32>
        %mul3A_143 = arith.constant 16 : i32
        %mul3A_144 = arith.muli %scan3A_39, %mul3A_143 : i32
        %get3A_145 = arith.constant 15 : i32
        %get3A_146 = arith.index_cast %get3A_145 : i32 to index
        %get3A_147 = arith.index_cast %mul3A_144 : i32 to index
        %get3A_148 = tpu.vector_load %run_scoped3A_4[%get3A_146, %get3A_147] {strides = array<i32>} : memref<16x640xf32, #tpu.memory_space<vmem>>, vector<16xf32>,
        %add3A_149 = arith.addf %add3A_142, %get3A_148 : vector<16xf32>
        %mul3A_150 = arith.constant 16 : i32
        %mul3A_151 = arith.muli %scan3A_39, %mul3A_150 : i32
        %swap3A = arith.index_cast %mul3A_151 : i32 to index
        %swap3A_152 = tpu.vector_load %run_scoped3A_5[%swap3A] {strides = array<i32>} : memref<640xf32, #tpu.memory_space<vmem>>, vector<16xf32>,
        tpu.vector_store %run_scoped3A_5[%swap3A], %add3A_149 {strides = array<i32>} : memref<640xf32, #tpu.memory_space<vmem>>, vector<16xf32>,
      }
      %scan3A_36 = arith.constant 40 : i32
      %mul3A_37 = arith.constant 640 : i32
      %mul3A_38 = arith.muli %arg1, %mul3A_37 : i32
      "tpu.region"() ({
        %run_scoped3A_39 = tpu.sem_alloc : memref<!tpu.dma_semaphore, #tpu.memory_space<semaphore_mem>>
        %dma_start3A_40 = tpu.memref_slice %arg5[%arg0, %mul3A_38] : memref<2x10240xf32, #tpu.memory_space<hbm>> -> memref<1x640xf32, #tpu.memory_space<hbm>>
        %dma_start3A_41 = tpu.memref_squeeze %dma_start3A_40 : memref<1x640xf32, #tpu.memory_space<hbm>> -> memref<640xf32, #tpu.memory_space<hbm>>
        %dma_start3A_42 = tpu.memref_slice %arg5[%arg0, %mul3A_38] : memref<2x10240xf32, #tpu.memory_space<hbm>> -> memref<1x640xf32, #tpu.memory_space<hbm>>
        %dma_start3A_43 = tpu.memref_squeeze %dma_start3A_42 : memref<1x640xf32, #tpu.memory_space<hbm>> -> memref<640xf32, #tpu.memory_space<hbm>>
        tpu.enqueue_dma source(%run_scoped3A_5 : memref<640xf32, #tpu.memory_space<vmem>>) target(%dma_start3A_43 : memref<640xf32, #tpu.memory_space<hbm>>) target_semaphore(%run_scoped3A_39 : memref<!tpu.dma_semaphore, #tpu.memory_space<semaphore_mem>>)
        %dma_wait3A_44 = tpu.memref_slice %arg5[%arg0, %mul3A_38] : memref<2x10240xf32, #tpu.memory_space<hbm>> -> memref<1x640xf32, #tpu.memory_space<hbm>>
        %dma_wait3A_45 = tpu.memref_squeeze %dma_wait3A_44 : memref<1x640xf32, #tpu.memory_space<hbm>> -> memref<640xf32, #tpu.memory_space<hbm>>
        %dma_wait3A_46 = tpu.memref_slice %arg5[%arg0, %mul3A_38] : memref<2x10240xf32, #tpu.memory_space<hbm>> -> memref<1x640xf32, #tpu.memory_space<hbm>>
        %dma_wait3A_47 = tpu.memref_squeeze %dma_wait3A_46 : memref<1x640xf32, #tpu.memory_space<hbm>> -> memref<640xf32, #tpu.memory_space<hbm>>
        tpu.wait_dma2 semaphore(%run_scoped3A_39 : memref<!tpu.dma_semaphore, #tpu.memory_space<semaphore_mem>>) src(%run_scoped3A_5 : memref<640xf32, #tpu.memory_space<vmem>>) dst(%dma_wait3A_47 : memref<640xf32, #tpu.memory_space<hbm>>)
        tpu.yield
      }) : () -> ()
      tpu.yield
    }) : () -> ()
    return
  }
}

module attributes {stable_mosaic.version = 14 : i64} {
  func.func @_tc_mm_body(%arg0: memref<10000x128xf32, #tpu.memory_space<vmem>>, %arg1: memref<128x128xf32, #tpu.memory_space<vmem>>, %arg2: memref<10000x128xf32, #tpu.memory_space<vmem>>) attributes {dimension_semantics = [], scalar_prefetch = 0 : i64, scratch_operands = 0 : i64, tpu.core_type = #tpu.core_type<tc>} {
    %get3A = arith.constant 0 : index
    %get3A_0 = arith.constant 0 : index
    %get3A_1 = vector.load %arg0[%get3A, %get3A_0] : memref<10000x128xf32, #tpu.memory_space<vmem>>, vector<10000x128xf32>
    %get3A_2 = arith.constant 0 : index
    %get3A_3 = arith.constant 0 : index
    %get3A_4 = vector.load %arg1[%get3A_2, %get3A_3] : memref<128x128xf32, #tpu.memory_space<vmem>>, vector<128x128xf32>
    %dot_general3A = arith.constant dense<0.000000e+00> : vector<10000x128xf32>
    %dot_general3A_5 = tpu.matmul %get3A_1, %get3A_4, %dot_general3A {dimension_numbers = #tpu.dot_dimension_numbers<[1], [0], [0], [1], [0, 0, 1, 1], [], []>, transpose_lhs_hint = false} : vector<10000x128xf32>, vector<128x128xf32>, vector<10000x128xf32> -> vector<10000x128xf32>
    %swap3A = arith.constant 0 : index
    %swap3A_6 = arith.constant 0 : index
    %swap3A_7 = vector.load %arg2[%swap3A, %swap3A_6] : memref<10000x128xf32, #tpu.memory_space<vmem>>, vector<10000x128xf32>
    tpu.vector_store %arg2[%swap3A, %swap3A_6], %dot_general3A_5 {strides = array<i32>} : memref<10000x128xf32, #tpu.memory_space<vmem>>, vector<10000x128xf32>,
    return
  }
}

module attributes {stable_mosaic.version = 14 : i64} {
  func.func @_tc1_body(%arg0: memref<2x10240xf32, #tpu.memory_space<vmem>>, %arg1: memref<10000x128xf32, #tpu.memory_space<vmem>>, %arg2: memref<10000x128xf32, #tpu.memory_space<vmem>>, %arg3: memref<10000xf32, #tpu.memory_space<vmem>>) attributes {dimension_semantics = [], scalar_prefetch = 0 : i64, scratch_operands = 0 : i64, tpu.core_type = #tpu.core_type<tc>} {
    %get3A = arith.constant 0 : index
    %get3A_0 = arith.constant 0 : index
    %get3A_1 = vector.load %arg0[%get3A, %get3A_0] : memref<2x10240xf32, #tpu.memory_space<vmem>>, vector<1x10000xf32>
    %get3A_2 = vector.shape_cast %get3A_1 : vector<1x10000xf32> to vector<10000xf32>
    %get3A_3 = arith.constant 1 : index
    %get3A_4 = arith.constant 0 : index
    %get3A_5 = vector.load %arg0[%get3A_3, %get3A_4] : memref<2x10240xf32, #tpu.memory_space<vmem>>, vector<1x10000xf32>
    %get3A_6 = vector.shape_cast %get3A_5 : vector<1x10000xf32> to vector<10000xf32>
    %add3A = arith.addf %get3A_2, %get3A_6 : vector<10000xf32>
    %add3A_7 = arith.constant 1.000000e+00 : f32
    %add3A_8 = vector.broadcast %add3A_7 : f32 to vector<10000xf32>
    %add3A_9 = arith.addf %add3A, %add3A_8 : vector<10000xf32>
    %rsqrt3A = math.rsqrt %add3A_9 : vector<10000xf32>
    %swap3A = arith.constant 0 : index
    %swap3A_10 = vector.load %arg3[%swap3A] : memref<10000xf32, #tpu.memory_space<vmem>>, vector<10000xf32>
    tpu.vector_store %arg3[%swap3A], %rsqrt3A {strides = array<i32>} : memref<10000xf32, #tpu.memory_space<vmem>>, vector<10000xf32>,
    %get3A_11 = arith.constant 0 : index
    %get3A_12 = arith.constant 0 : index
    %get3A_13 = vector.load %arg1[%get3A_11, %get3A_12] : memref<10000x128xf32, #tpu.memory_space<vmem>>, vector<10000x128xf32>
    %broadcast_in_dim3A = vector.shape_cast %rsqrt3A : vector<10000xf32> to vector<10000x1xf32>
    %mul3A = vector.broadcast %broadcast_in_dim3A : vector<10000x1xf32> to vector<10000x128xf32>
    %mul3A_14 = arith.mulf %get3A_13, %mul3A : vector<10000x128xf32>
    %swap3A_15 = arith.constant 0 : index
    %swap3A_16 = arith.constant 0 : index
    %swap3A_17 = vector.load %arg2[%swap3A_15, %swap3A_16] : memref<10000x128xf32, #tpu.memory_space<vmem>>, vector<10000x128xf32>
    tpu.vector_store %arg2[%swap3A_15, %swap3A_16], %mul3A_14 {strides = array<i32>} : memref<10000x128xf32, #tpu.memory_space<vmem>>, vector<10000x128xf32>,
    return
  }
}

module attributes {stable_mosaic.version = 14 : i64} {
  func.func @_tc2_body(%arg0: memref<2x10240x128xf32, #tpu.memory_space<vmem>>, %arg1: memref<10000x128xf32, #tpu.memory_space<vmem>>, %arg2: memref<10000xf32, #tpu.memory_space<vmem>>, %arg3: memref<128xf32, #tpu.memory_space<vmem>>, %arg4: memref<128x1xf32, #tpu.memory_space<vmem>>, %arg5: memref<10000xf32, #tpu.memory_space<vmem>>) attributes {dimension_semantics = [], scalar_prefetch = 0 : i64, scratch_operands = 0 : i64, tpu.core_type = #tpu.core_type<tc>} {
    %get3A = arith.constant 0 : index
    %get3A_0 = vector.load %arg2[%get3A] : memref<10000xf32, #tpu.memory_space<vmem>>, vector<10000xf32>
    %get3A_1 = arith.constant 0 : index
    %get3A_2 = arith.constant 0 : index
    %get3A_3 = arith.constant 0 : index
    %get3A_4 = vector.load %arg0[%get3A_1, %get3A_2, %get3A_3] : memref<2x10240x128xf32, #tpu.memory_space<vmem>>, vector<1x10000x128xf32>
    %get3A_5 = vector.shape_cast %get3A_4 : vector<1x10000x128xf32> to vector<10000x128xf32>
    %get3A_6 = arith.constant 1 : index
    %get3A_7 = arith.constant 0 : index
    %get3A_8 = arith.constant 0 : index
    %get3A_9 = vector.load %arg0[%get3A_6, %get3A_7, %get3A_8] : memref<2x10240x128xf32, #tpu.memory_space<vmem>>, vector<1x10000x128xf32>
    %get3A_10 = vector.shape_cast %get3A_9 : vector<1x10000x128xf32> to vector<10000x128xf32>
    %add3A = arith.addf %get3A_5, %get3A_10 : vector<10000x128xf32>
    %get3A_11 = arith.constant 0 : index
    %get3A_12 = arith.constant 0 : index
    %get3A_13 = vector.load %arg1[%get3A_11, %get3A_12] : memref<10000x128xf32, #tpu.memory_space<vmem>>, vector<10000x128xf32>
    %add3A_14 = arith.addf %add3A, %get3A_13 : vector<10000x128xf32>
    %broadcast_in_dim3A = vector.shape_cast %get3A_0 : vector<10000xf32> to vector<10000x1xf32>
    %mul3A = vector.broadcast %broadcast_in_dim3A : vector<10000x1xf32> to vector<10000x128xf32>
    %mul3A_15 = arith.mulf %add3A_14, %mul3A : vector<10000x128xf32>
    %get3A_16 = arith.constant 0 : index
    %get3A_17 = vector.load %arg3[%get3A_16] : memref<128xf32, #tpu.memory_space<vmem>>, vector<128xf32>
    %broadcast_in_dim3A_18 = vector.shape_cast %get3A_17 : vector<128xf32> to vector<1x128xf32>
    %add3A_19 = vector.broadcast %broadcast_in_dim3A_18 : vector<1x128xf32> to vector<10000x128xf32>
    %add3A_20 = arith.addf %mul3A_15, %add3A_19 : vector<10000x128xf32>
    %max3A = arith.constant 0.000000e+00 : f32
    %max3A_21 = vector.broadcast %max3A : f32 to vector<10000x128xf32>
    %max3A_22 = arith.maximumf %add3A_20, %max3A_21 : vector<10000x128xf32>
    %get3A_23 = arith.constant 0 : index
    %get3A_24 = arith.constant 0 : index
    %get3A_25 = vector.load %arg4[%get3A_23, %get3A_24] : memref<128x1xf32, #tpu.memory_space<vmem>>, vector<128x1xf32>
    %dot_general3A = arith.constant dense<0.000000e+00> : vector<10000x1xf32>
    %dot_general3A_26 = tpu.matmul %max3A_22, %get3A_25, %dot_general3A {dimension_numbers = #tpu.dot_dimension_numbers<[1], [0], [0], [1], [0, 0, 1, 1], [], []>, transpose_lhs_hint = false} : vector<10000x128xf32>, vector<128x1xf32>, vector<10000x1xf32> -> vector<10000x1xf32>
    %squeeze3A = vector.shape_cast %dot_general3A_26 : vector<10000x1xf32> to vector<10000xf32>
    %mul3A_27 = arith.mulf %squeeze3A, %get3A_0 : vector<10000xf32>
    %swap3A = arith.constant 0 : index
    %swap3A_28 = vector.load %arg5[%swap3A] : memref<10000xf32, #tpu.memory_space<vmem>>, vector<10000xf32>
    tpu.vector_store %arg5[%swap3A], %mul3A_27 {strides = array<i32>} : memref<10000xf32, #tpu.memory_space<vmem>>, vector<10000xf32>,
    return
  }
}

module attributes {stable_mosaic.version = 14 : i64} {
  func.func @_tc3_body(%arg0: memref<2x10240xf32, #tpu.memory_space<vmem>>, %arg1: memref<10000xf32, #tpu.memory_space<vmem>>, %arg2: memref<10000xf32, #tpu.memory_space<vmem>>, %arg3: memref<1xf32, #tpu.memory_space<vmem>>, %arg4: memref<10000xf32, #tpu.memory_space<vmem>>) attributes {dimension_semantics = [], scalar_prefetch = 0 : i64, scratch_operands = 0 : i64, tpu.core_type = #tpu.core_type<tc>} {
    %get3A = arith.constant 0 : index
    %get3A_0 = vector.load %arg2[%get3A] : memref<10000xf32, #tpu.memory_space<vmem>>, vector<10000xf32>
    %get3A_1 = arith.constant 0 : index
    %get3A_2 = arith.constant 0 : index
    %get3A_3 = vector.load %arg0[%get3A_1, %get3A_2] : memref<2x10240xf32, #tpu.memory_space<vmem>>, vector<1x10000xf32>
    %get3A_4 = vector.shape_cast %get3A_3 : vector<1x10000xf32> to vector<10000xf32>
    %get3A_5 = arith.constant 1 : index
    %get3A_6 = arith.constant 0 : index
    %get3A_7 = vector.load %arg0[%get3A_5, %get3A_6] : memref<2x10240xf32, #tpu.memory_space<vmem>>, vector<1x10000xf32>
    %get3A_8 = vector.shape_cast %get3A_7 : vector<1x10000xf32> to vector<10000xf32>
    %add3A = arith.addf %get3A_4, %get3A_8 : vector<10000xf32>
    %get3A_9 = arith.constant 0 : index
    %get3A_10 = vector.load %arg1[%get3A_9] : memref<10000xf32, #tpu.memory_space<vmem>>, vector<10000xf32>
    %add3A_11 = arith.addf %add3A, %get3A_10 : vector<10000xf32>
    %mul3A = arith.mulf %get3A_0, %add3A_11 : vector<10000xf32>
    %get3A_12 = arith.constant 0 : index
    %get3A_13 = vector.load %arg3[%get3A_12] : memref<1xf32, #tpu.memory_space<vmem>>, vector<1xf32>
    %add3A_14 = vector.broadcast %get3A_13 : vector<1xf32> to vector<10000xf32>
    %add3A_15 = arith.addf %mul3A, %add3A_14 : vector<10000xf32>
    %swap3A = arith.constant 0 : index
    %swap3A_16 = vector.load %arg4[%swap3A] : memref<10000xf32, #tpu.memory_space<vmem>>, vector<10000xf32>
    tpu.vector_store %arg4[%swap3A], %add3A_15 {strides = array<i32>} : memref<10000xf32, #tpu.memory_space<vmem>>, vector<10000xf32>,
    return
  }
}

</mosaic_0001>

<sc_bundles>
// kernel: kernel.12.cloned.1.call-start
scs
__scs_entry_jumppad:
0x0: {  	(pc) =	sbr.rel $0x88, $3  }
0x1: {  	(tag) =	ssettag $0x0;
	lr =	simm.s32 $0x1  }
0x2: {  	[smem:$0x3F9B] =	sst lr;
	_ =	strace $0xD0000000  }
0x3: {  	_ = 	snop  }
0x4: {  	_ = 	snop  }
0x5: {  	_ = 	snop  }
0x6: {  	_ = 	snop  }
0x7: {  	_ = 	snop  }
__scs_overlays_trampoline_lowered:
0x8: {  	[smem:$0x3FAA] =	sst s0  }
0x9: {  	[smem:$0x3FAB] =	sst s1  }
0xa: {  	[smem:$0x3FAC] =	sst s2  }
0xb: {  	[smem:$0x3FAD] =	sst s3  }
0xc: {  	[smem:$0x3FAE] =	sst s4  }
0xd: {  	[smem:$0x3FAF] =	sst s5  }
0xe: {  	[smem:$0x3FB0] =	sst s6  }
0xf: {  	[smem:$0x3FB1] =	sst s7  }
0x10: {  	[smem:$0x3FB2] =	sst s8  }
0x11: {  	[smem:$0x3FB3] =	sst s9;
	s0 =	simm.s32 @!p0 $0x0  }
0x12: {  	s1 =	sld [smem:$0x3F99];
	s0 =	simm.s32 @p0 $0x1  }
0x13: {  	[smem:$0x3FB4] =	sst s0;
	s0 =	simm.s32 @!p1 $0x0  }
0x14: {  	s2 =	sld [smem:$0x3F98];
	s0 =	simm.s32 @p1 $0x1  }
0x15: {  	[smem:$0x3FB5] =	sst s0;
	s0 =	simm.s32 @!p2 $0x0  }
0x16: {  	s3 =	sld [smem:$0x3FDB];
	s0 =	simm.s32 @p2 $0x1  }
0x17: {  	s4 =	simm.s32 $0x1BF5;
	[smem:$0x3FB7] =	sst s0  }
0x18: {  	s0 =	sld [smem:$0x3F9A];
	_ =	swait.ge [sflag:s4], $0x0  }
0x19: {  	s7 =	sld [smem:$0x3F9B]  }
0x1a: {  	s8 =	sadd.s32 $0xFFFFE003, lr  }
0x1b: {  	s9 =	sadd.s32 $0xFFFFFEF7, lr;
	s5 =	simm.s32 $0xFFFFFFFF;
	p2 =	slt.u32 s8, $0xFFFFF086  }
0x1c: {  	p1 =	slt.u32 s9, $0xF7A;
	s5 =	simm.s32 @!p2 $0x0  }
0x1d: {  	s5 =	simm.s32 @p1 $0x1;
	p0 =	seq.s32 s7, s2  }
0x1e: {  	s7 =	smul.u32 @!p0 $0xF7A, s2;
	p2 =	seq.s32 @!p0 s5, $0x0  }
0x1f: {  	s9 =	smul.u32 $0xF7A, s1;
	s8 =	simm.s32 @!p0 $0x1BF5;
	p2 =	por !p2, p0  }
0x20: {  	[sflag:s8] =	ssyncset.s32 @!p0 $0xFFFFF086;
	s6 =	sadd.s32 @!p0 s3, s7;
	s7 =	simm.s32 @!p0 $0x108  }
0x21: {  	s3 =	sadd.s32 s3, s9;
	s6 =	sadd.s32 @!p0 $0x88, s6;
	s7 =	simm.s32 @p2 $0x1082  }
0x22: {  	[simem:s7], [sflag:s8] =	dma.local @!p0 [hbm:s6], $0xF7A  }
0x23: {  	s9 =	sor.u32 $0xD0000000, s2;
	s6 =	simm.s32 $0x108;
	_ =	swait.ge @!p0 [sflag:s8], $0x0  }
0x24: {  	s3 =	sadd.s32 $0x88, s3;
	s6 =	simm.s32 @!p1 $0x1082;
	[sflag:s4] =	ssyncset.s32 $0xFFFFF086  }
0x25: {  	[simem:s6], [sflag:s4] =	dma.local [hbm:s3], $0xF7A  }
0x26: {  	[smem:$0x3F9B] =	sst s1;
	(tag) =	ssettag s2;
	_ =	strace s9  }
0x27: {  	s1 =	sld [smem:$0x3FAB]  }
0x28: {  	s2 =	sld [smem:$0x3FAC]  }
0x29: {  	s4 =	sld [smem:$0x3FAE]  }
0x2a: {  	p0 =	seq.s32 s5, $0x0;
	s5 =	sld [smem:$0x3FAF]  }
0x2b: {  	s6 =	sld [smem:$0x3FB0]  }
0x2c: {  	s7 =	sld [smem:$0x3FB1]  }
0x2d: {  	s3 =	simm.s32 $0x108;
	s8 =	sld [smem:$0x3FB2]  }
0x2e: {  	s3 =	simm.s32 @!p0 $0x1082;
	s9 =	sld [smem:$0x3FB3]  }
0x2f: {  	lr =	sadd.s32 s0, s3;
	s0 =	sld [smem:$0x3FAA]  }
0x30: {  	s3 =	sld [smem:$0x3FAD]  }
0x31: {  	[smem:$0x3FB6] =	sst s10  }
0x32: {  	s10 =	sld [smem:$0x3FB4];
	_ =	sdelay $0x3  }
0x33: {  	p0 =	seq.s32 s10, $0x1;
	s10 =	sld [smem:$0x3FB6];
	_ =	sdelay $0x3  }
0x34: {  	[smem:$0x3FB6] =	sst s10  }
0x35: {  	s10 =	sld [smem:$0x3FB5];
	_ =	sdelay $0x3  }
0x36: {  	p1 =	seq.s32 s10, $0x1;
	s10 =	sld [smem:$0x3FB6];
	_ =	sdelay $0x3  }
0x37: {  	[smem:$0x3FB6] =	sst s10  }
0x38: {  	s10 =	sld [smem:$0x3FB7]  }
0x39: {  	_ = 	snop;
	(pc) =	sbr.ind lr, $3  }
0x3a: {  	_ = 	snop  }
0x3b: {  	_ = 	snop  }
0x3c: {  	p2 =	seq.s32 s10, $0x1;
	s10 =	sld [smem:$0x3FB6]  }
0x3d: {  	_ =	shalt  }
0x3e: {  	_ =	shalt  }
0x3f: {  	_ =	shalt  }
0x40: {  	_ =	shalt  }
0x41: {  	_ =	shalt  }
0x42: {  	_ =	shalt  }
0x43: {  	_ =	shalt  }
0x44: {  	_ =	shalt  }
0x45: {  	_ =	shalt  }
0x46: {  	_ =	shalt  }
0x47: {  	_ =	shalt  }
0x48: {  	_ =	shalt  }
0x49: {  	_ =	shalt  }
0x4a: {  	_ =	shalt  }
0x4b: {  	_ =	shalt  }
0x4c: {  	_ =	shalt  }
0x4d: {  	_ =	shalt  }
0x4e: {  	_ =	shalt  }
0x4f: {  	_ =	shalt  }
0x50: {  	_ =	shalt  }
0x51: {  	_ =	shalt  }
0x52: {  	_ =	shalt  }
0x53: {  	_ =	shalt  }
0x54: {  	_ =	shalt  }
0x55: {  	_ =	shalt  }
0x56: {  	_ =	shalt  }
0x57: {  	_ =	shalt  }
0x58: {  	_ =	shalt  }
0x59: {  	_ =	shalt  }
0x5a: {  	_ =	shalt  }
0x5b: {  	_ =	shalt  }
0x5c: {  	_ =	shalt  }
0x5d: {  	_ =	shalt  }
0x5e: {  	_ =	shalt  }
0x5f: {  	_ =	shalt  }
0x60: {  	_ =	shalt  }
0x61: {  	_ =	shalt  }
0x62: {  	_ =	shalt  }
0x63: {  	_ =	shalt  }
0x64: {  	_ =	shalt  }
0x65: {  	_ =	shalt  }
0x66: {  	_ =	shalt  }
0x67: {  	_ =	shalt  }
0x68: {  	_ =	shalt  }
0x69: {  	_ =	shalt  }
0x6a: {  	_ =	shalt  }
0x6b: {  	_ =	shalt  }
0x6c: {  	_ =	shalt  }
0x6d: {  	_ =	shalt  }
0x6e: {  	_ =	shalt  }
0x6f: {  	_ =	shalt  }
0x70: {  	_ =	shalt  }
0x71: {  	_ =	shalt  }
0x72: {  	_ =	shalt  }
0x73: {  	_ =	shalt  }
0x74: {  	_ =	shalt  }
0x75: {  	_ =	shalt  }
0x76: {  	_ =	shalt  }
0x77: {  	_ =	shalt  }
0x78: {  	_ =	shalt  }
0x79: {  	_ =	shalt  }
0x7a: {  	_ =	shalt  }
0x7b: {  	_ =	shalt  }
0x7c: {  	_ =	shalt  }
0x7d: {  	_ =	shalt  }
0x7e: {  	_ =	shalt  }
0x7f: {  	_ =	shalt  }
0x80: {  	_ =	shalt  }
0x81: {  	_ =	shalt  }
0x82: {  	_ =	shalt  }
0x83: {  	_ =	shalt  }
0x84: {  	_ =	shalt  }
0x85: {  	_ =	shalt  }
0x86: {  	_ =	shalt  }
0x87: {  	_ =	shalt  }
.Lfunc_end0:
.L_simem_size_0:
called_computation.1_lowered:
.L_overlay_start_0:
0x88: {  	s2 =	sld [smem:$0x3FD9]  }
0x89: {  	s3 =	sld [smem:$0x3FFE];
	_ =	sdelay $0x1  }
0x8a: {  	s1 =	srdreg.scid  }
0x8b: {  	s0 =	sand.u32 $0x1, s1  }
0x8c: {  	s16 =	sshll.u32 s0, $0xA;
	s2 =	sadd.s32 s3, s2  }
0x8d: {  	s2 =	sadd.s32 s2, s16  }
0x8e: {  	[smem:$0x3FC2] =	sst s2  }
0x8f: {  	_ = 	snop  }
0x90: {  	(tm) =	ssettm $0x1  }
0x91: {  	s17 =	sld [smem:$0x3FFB];
	_ =	sdelay $0x3  }
0x92: {  	_ =	strace s17  }
0x93: {  	s2 =	sld [smem:$0x3FFC];
	_ =	sdelay $0x3  }
0x94: {  	_ =	strace s2  }
0x95: {  	s2 =	sld [smem:$0x3FFD];
	_ =	sdelay $0x3  }
0x96: {  	_ =	strace s2  }
0x97: {  	_ =	strace $0x8FFFFFFF  }
0x98: {  	s18 =	sld [smem:$0x3FDB];
	_ =	sdelay $0x1  }
0x99: {  	s19 =	simm.s32 $_scs_section_size  }
0x9a: {  	s4 =	simm.s32 $_size__tile_overlayer_lowered;
	s5 =	simm.s32 $_tile_overlayer_lowered  }
0x9b: {  	s22 =	simm.s32 $0x1BFF;
	s21 =	sshll.u32 s5, $0x1;
	s2 =	sadd.s32 s19, s18  }
0x9c: {  	s6 =	simm.s32 $0x0;
	s20 =	sshll.u32 s4, $0x1;
	s4 =	sadd.s32 s21, s2  }
0x9d: {  	[timem:s6], [sflag:s22] =	dma.local [hbm:s4], s20  }
0x9e: {  	_ =	swait.ge [sflag:s22], s20  }
0x9f: {  	s3 =	ssub.s32 $0x0, s20;
	[sflag:s22] =	ssyncset.done $0x0  }
0xa0: {  	[sflag:s22] =	ssyncadd.s32 s3;
	_ =	sdelay $0x1  }
0xa1: {  	s23 =	simm.s32 $0x1B8B  }
0xa2: {  	_ =	swait.ge [sflag:s23], $0x1  }
0xa3: {  	[sflag:s23] =	ssyncset.done $0x0  }
0xa4: {  	s25 =	simm.s32 $0x1B8E;
	s24 =	sld [smem:$0x3FFE];
	[sflag:s23] =	ssyncadd.s32 $0xFFFFFFFF  }
0xa5: {  	s26 =	simm.s32 $execute0_lowered;
	[smem:$0x3FD2] =	sst s25  }
0xa6: {  	s4 =	sshll.u32 s26, $0x1;
	_ =	strace $0x80000049;
	[dreg:$0x1] =	wrdreg $0xFFFFFFFF  }
0xa7: {  	s28 =	simm.s32 $_size_execute0_lowered;
	s2 =	sadd.s32 s2, s4;
	[dreg:$0x0] =	wrdreg $0x0  }
0xa8: {  	s4 =	sshll.u32 s28, $0x1;
	[dreg:$0x2] =	wrdreg s2  }
0xa9: {  	[dreg:$0x3] =	wrdreg s4  }
0xaa: {  	[dreg:$0x4] =	wrdreg $0xC0  }
0xab: {  	_ =	task [dreg:s6], $0x5FFFF  }
0xac: {  	[dreg:$0x1] =	wrdreg $0xFFFFFFFF  }
0xad: {  	[dreg:$0x0] =	wrdreg $0x60  }
0xae: {  	[dreg:$0x2] =	wrdreg s24  }
0xaf: {  	[dreg:$0x3] =	wrdreg $0x0  }
0xb0: {  	[dreg:$0x4] =	wrdreg $0x9  }
0xb1: {  	_ =	task.clear_ibuf [dreg:s6], $0x5FFFF;
	_ =	strace $0x90000049  }
0xb2: {  	s29 =	simm.s32 $0x9;
	_ =	strace $0x8000004B  }
0xb3: {  	_ =	swait.ge [sflag:s29], $0x1  }
0xb4: {  	[sflag:s29] =	ssyncadd.s32 $0xFFFFFFFF  }
0xb5: {  	_ =	strace $0x9000004B  }
0xb6: {  	_ =	sfence  }
0xb7: {  	s30 =	sld [smem:$0x0];
	_ =	sdelay $0x2  }
0xb8: {  	s31 =	sshll.u32 s1, $0xD;
	s1 =	sshrl.u32 s1, $0x2  }
0xb9: {  	s3 =	sand.u32 $0x4000, s31;
	s1 =	sadd.s32 s1, s30  }
0xba: {  	s0 =	sor.u32 s3, s0;
	s1 =	sshll.u32 s1, $0x11  }
0xbb: {  	s0 =	sor.u32 s1, s0  }
0xbc: {  	s0 =	sadd.s32 $0x8F2B, s0  }
0xbd: {  	[sflag:s0] =	ssyncadd.remote.s32 $0x1  }
0xbe: {  	_ =	sfence.sel $0xFFFF  }
0xbf: {  	[dreg:$0x0] =	wrdreg $0xFFFFFFFF;
	(pc) =	sbr.abs _section_cstart, $3  }
0xc0: {  	[dreg:$0x1] =	wrdreg $0xFFFFFFFF  }
0xc1: {  	_ =	task.clear_ibuf [dreg:s6], $0x2FFFF;
	_ =	strace $0x9FFFFFFF  }
0xc2: {  	(tm) =	ssettm $0x7FFFFFFF  }
0xc3: {  	_ =	shalt  }
tec
execute0_lowered:
.L_overlay_start_1:
0x0: {  	(tag) =	ssettag $0x1  }
0x1: {  	s0 =	rddreg [dreg:$0x0]  }
0x2: {  	s2 =	rddreg [dreg:$0x1]  }
0x3: {  	s1 =	srdreg.scid;
	s8 =	stileid.u32  }
0x4: {  	s3 =	simm.s32 $0x0;
	s17 =	simm.s32 $0x14000;
	s19 =	simm.s32 $0x18E20  }
0x5: {  	s20 =	simm.s32 $0x4;
	s21 =	simm.s32 $0x3;
	s22 =	simm.s32 $0x50  }
0x6: {  	s24 =	simm.s32 $0x1B620;
	s25 =	simm.s32 $0x1;
	s28 =	simm.s32 $0x18D30  }
0x7: {  	s29 =	simm.s32 $0x166C0;
	s30 =	simm.s32 $0x18D80;
	s7 =	smul.u32 $0x14000, s8  }
0x8: {  	s1 =	sand.u32 $0x1, s1;
	s4 =	sshll.u32 s8, $0x1;
	s8 =	smul.u32 $0x50000, s8  }
0x9: {  	s31 =	simm.s32 $0x18DD0;
	[smem:$0x7FF] =	sst s3;
	s5 =	smul.u32 $0x140000, s1  }
0xa: {  	_ =	strace $0x8000004A;
	s6 =	sor.u32 s1, s4;
	s1 =	ssub.s32 $0x2, s1  }
0xb: {  	s4 =	sadd.s32 $0x2A400, s0;
	s6 =	smul.u32 $0x4E2, s6;
	s26 =	sshrl.u32 s1, $0x1  }
0xc: {  	s8 =	sshrl.u32 s8, $0x2;
	s5 =	sadd.s32 s7, s5;
	s1 =	ssub.s32 s1, s26  }
0xd: {  	s7 =	sadd.s32 s7, s2;
	s14 =	sadd.s32 s8, s2;
	s26 =	simm.s32 $0x2  }
0xe: {  	s5 =	sshrl.u32 s5, $0x3;
	s6 =	sadd.s32 s6, s0;
	s8 =	sadd.s32 $0x2800, s14  }
0xf: {  	s9 =	sadd.s32 $0x5000, s14;
	s10 =	sadd.s32 $0x7800, s14;
	s11 =	sadd.s32 $0xA000, s14  }
0x10: {  	s12 =	sadd.s32 $0xC800, s14;
	s13 =	sadd.s32 $0xF000, s14;
	s14 =	sadd.s32 $0x11800, s14  }
0x11: {  	s16 =	smax.u32 s1, $0x1;
	s0 =	sadd.s32 s5, s0;
	s5 =	sadd.s32 $0x2C00, s6  }
0x12: {  	v0 =	vimm.f32 $0.0e+00;
	s6 =	sadd.s32 $0xCA00, s6;
	s15 =	sadd.s32 $0x51600, s0;
	s0 =	simm.s32 $0x0  }
.LBB2_1:
0x13: {  	[tilespmem:s17], [sflag:$0x3] =	stream.linear.gather [hbm4b:s5+s3], $0x2710, $0x38;
	[tilespmem:$0x1DE20] =	vst v63  }
0x14: {  	s1 =	simm.s32 $0x16710  }
0x15: {  	[tilespmem:s1], [sflag:$0x3] =	stream.linear.gather [hbm4b:s6+s3], $0x2710, $0x38;
	[tilespmem:$0x1DE20] =	vst v63  }
0x16: {  	s18 =	simm.s32 $0x200;
	s1 =	simm.s32 $0x0  }
.LBB2_2:
0x17: {  	p0 =	sne.s32 s18, $0x9E00;
	[tilespmem:s1+$0x18E90] =	vst v0  }
0x18: {  	[tilespmem:s1+$0x18E20] =	vst v0  }
0x19: {  	[tilespmem:s1+$0x18E30] =	vst v0  }
.Ltmp0:
0x1a: {  	[tilespmem:s1+$0x18E40] =	vst v0;
	(pc) =	sbr.rel @p0 .LBB2_2-.Ltmp0, $4  }
0x1b: {  	[tilespmem:s1+$0x18E50] =	vst v0  }
0x1c: {  	[tilespmem:s1+$0x18E60] =	vst v0  }
0x1d: {  	[tilespmem:s1+$0x18E70] =	vst v0  }
0x1e: {  	[tilespmem:s1+$0x18E80] =	vst v0;
	s1 =	sshra.s32 s18, $0x2;
	s18 =	sadd.s32 $0x200, s18  }
0x1f: {  	[tilespmem:s1+$0x18E90] =	vst v0  }
0x20: {  	[tilespmem:s1+$0x18E20] =	vst v0  }
0x21: {  	[tilespmem:s1+$0x18E30] =	vst v0  }
0x22: {  	[tilespmem:s1+$0x18E40] =	vst v0  }
0x23: {  	[tilespmem:s1+$0x18E50] =	vst v0  }
0x24: {  	[tilespmem:s1+$0x18E60] =	vst v0  }
0x25: {  	[tilespmem:s1+$0x18E70] =	vst v0  }
0x26: {  	[tilespmem:s1+$0x18E80] =	vst v0  }
0x27: {  	[spmem:s7] =	stream.linear.scatter [tilespmem:s19], [sflag:$0x4], $0x2800, $0x38;
	[tilespmem:$0x1DE20] =	vst v63  }
0x28: {  	_ =	swait.ge [sflag:s20], $0x2800  }
0x29: {  	[sflag:s20] =	ssyncset.done $0x0  }
0x2a: {  	[sflag:s20] =	ssyncadd.s32 $0xFFFFD800  }
0x2b: {  	[spmem:s8] =	stream.linear.scatter [tilespmem:s19], [sflag:$0x4], $0x2800, $0x38;
	[tilespmem:$0x1DE20] =	vst v63  }
0x2c: {  	_ =	swait.ge [sflag:s20], $0x2800  }
0x2d: {  	[sflag:s20] =	ssyncset.done $0x0  }
0x2e: {  	[sflag:s20] =	ssyncadd.s32 $0xFFFFD800  }
0x2f: {  	[spmem:s9] =	stream.linear.scatter [tilespmem:s19], [sflag:$0x4], $0x2800, $0x38;
	[tilespmem:$0x1DE20] =	vst v63  }
0x30: {  	_ =	swait.ge [sflag:s20], $0x2800  }
0x31: {  	[sflag:s20] =	ssyncset.done $0x0  }
0x32: {  	[sflag:s20] =	ssyncadd.s32 $0xFFFFD800  }
0x33: {  	[spmem:s10] =	stream.linear.scatter [tilespmem:s19], [sflag:$0x4], $0x2800, $0x38;
	[tilespmem:$0x1DE20] =	vst v63  }
0x34: {  	_ =	swait.ge [sflag:s20], $0x2800  }
0x35: {  	[sflag:s20] =	ssyncset.done $0x0  }
0x36: {  	[sflag:s20] =	ssyncadd.s32 $0xFFFFD800  }
0x37: {  	[spmem:s11] =	stream.linear.scatter [tilespmem:s19], [sflag:$0x4], $0x2800, $0x38;
	[tilespmem:$0x1DE20] =	vst v63  }
0x38: {  	_ =	swait.ge [sflag:s20], $0x2800  }
0x39: {  	[sflag:s20] =	ssyncset.done $0x0  }
0x3a: {  	[sflag:s20] =	ssyncadd.s32 $0xFFFFD800  }
0x3b: {  	[spmem:s12] =	stream.linear.scatter [tilespmem:s19], [sflag:$0x4], $0x2800, $0x38;
	[tilespmem:$0x1DE20] =	vst v63  }
0x3c: {  	_ =	swait.ge [sflag:s20], $0x2800  }
0x3d: {  	[sflag:s20] =	ssyncset.done $0x0  }
0x3e: {  	[sflag:s20] =	ssyncadd.s32 $0xFFFFD800  }
0x3f: {  	[spmem:s13] =	stream.linear.scatter [tilespmem:s19], [sflag:$0x4], $0x2800, $0x38;
	[tilespmem:$0x1DE20] =	vst v63  }
0x40: {  	_ =	swait.ge [sflag:s20], $0x2800  }
0x41: {  	[sflag:s20] =	ssyncset.done $0x0  }
0x42: {  	[sflag:s20] =	ssyncadd.s32 $0xFFFFD800  }
0x43: {  	[spmem:s14] =	stream.linear.scatter [tilespmem:s19], [sflag:$0x4], $0x2800, $0x38;
	[tilespmem:$0x1DE20] =	vst v63  }
0x44: {  	_ =	swait.ge [sflag:s20], $0x2800  }
0x45: {  	[sflag:s20] =	ssyncset.done $0x0  }
0x46: {  	[sflag:s20] =	ssyncadd.s32 $0xFFFFD800  }
0x47: {  	_ =	swait.ge [sflag:s21], $0x2710  }
0x48: {  	[sflag:s21] =	ssyncset.done $0x0  }
0x49: {  	[sflag:s21] =	ssyncadd.s32 $0xFFFFD8F0  }
0x4a: {  	_ =	swait.ge [sflag:s21], $0x2710  }
0x4b: {  	[sflag:s21] =	ssyncset.done $0x0  }
0x4c: {  	[sflag:s21] =	ssyncadd.s32 $0xFFFFD8F0  }
0x4d: {  	[bflag:$0x0] =	sbarrier.arrive $0xFFFF  }
0x4e: {  	[tilespmem:s19], [sflag:$0x1] =	stream.indirect.gather [hbm4b:s4+s22], $0x80, s17, s22, $0xb8;
	[tilespmem:$0x1DE20] =	vst v63  }
0x4f: {  	s18 =	simm.s32 $0x14050  }
0x50: {  	[tilespmem:s24], [sflag:$0x2] =	stream.indirect.gather [hbm4b:s4+s22], $0x80, s18, s22, $0xb8;
	[tilespmem:$0x1DE20] =	vst v63  }
0x51: {  	_ =	swait.ge [sflag:s25], $0x2800  }
0x52: {  	[sflag:s25] =	ssyncset.done $0x0  }
0x53: {  	s23 =	simm.s32 $0x16710;
	[sflag:s25] =	ssyncadd.s32 $0xFFFFD800  }
0x54: {  	[spmem:s2] =	stream.indirect.scatter.add.f32 [tilespmem:s19], [sflag:$0x4], $0x80, s23, s22, $0xb8;
	[tilespmem:$0x1DE20] =	vst v63  }
0x55: {  	_ =	swait.ge [sflag:s20], $0x2800  }
0x56: {  	[sflag:s20] =	ssyncset.done $0x0  }
0x57: {  	s18 =	simm.s32 $0x140A0;
	[sflag:s20] =	ssyncadd.s32 $0xFFFFD800  }
0x58: {  	[tilespmem:s19], [sflag:$0x1] =	stream.indirect.gather [hbm4b:s4+s22], $0x80, s18, s22, $0xb8;
	[tilespmem:$0x1DE20] =	vst v63  }
0x59: {  	_ =	swait.ge [sflag:s26], $0x2800  }
0x5a: {  	[sflag:s26] =	ssyncset.done $0x0  }
0x5b: {  	s23 =	simm.s32 $0x16760;
	[sflag:s26] =	ssyncadd.s32 $0xFFFFD800  }
0x5c: {  	[spmem:s2] =	stream.indirect.scatter.add.f32 [tilespmem:s24], [sflag:$0x4], $0x80, s23, s22, $0xb8;
	[tilespmem:$0x1DE20] =	vst v63  }
0x5d: {  	_ =	swait.ge [sflag:s20], $0x2800  }
0x5e: {  	[sflag:s20] =	ssyncset.done $0x0  }
0x5f: {  	s1 =	simm.s32 $0x280;
	s18 =	simm.s32 $0x140F0;
	[sflag:s20] =	ssyncadd.s32 $0xFFFFD800  }
.LBB2_4:
0x60: {  	[tilespmem:s24], [sflag:$0x2] =	stream.indirect.gather [hbm4b:s4+s22], $0x80, s18, s22, $0xb8;
	[tilespmem:$0x1DE20] =	vst v63  }
0x61: {  	s18 =	smov.u32 s1  }
0x62: {  	p0 =	sne.s32 s1, $0x9600;
	s1 =	sadd.s32 $0x280, s1;
	_ =	swait.ge [sflag:s25], $0x2800  }
0x63: {  	s18 =	sshra.s32 s18, $0x2;
	[sflag:s25] =	ssyncset.done $0x0  }
0x64: {  	s23 =	sadd.s32 $0x16710, s18;
	[sflag:s25] =	ssyncadd.s32 $0xFFFFD800  }
0x65: {  	[spmem:s2] =	stream.indirect.scatter.add.f32 [tilespmem:s19], [sflag:$0x4], $0x80, s23, s22, $0xb8;
	[tilespmem:$0x1DE20] =	vst v63  }
0x66: {  	_ =	swait.ge [sflag:s20], $0x2800  }
0x67: {  	[sflag:s20] =	ssyncset.done $0x0  }
0x68: {  	s23 =	sadd.s32 $0x140A0, s18;
	[sflag:s20] =	ssyncadd.s32 $0xFFFFD800  }
0x69: {  	[tilespmem:s19], [sflag:$0x1] =	stream.indirect.gather [hbm4b:s4+s22], $0x80, s23, s22, $0xb8;
	[tilespmem:$0x1DE20] =	vst v63  }
0x6a: {  	_ =	swait.ge [sflag:s26], $0x2800  }
0x6b: {  	[sflag:s26] =	ssyncset.done $0x0  }
.Ltmp1:
0x6c: {  	s23 =	sadd.s32 $0x16760, s18;
	[sflag:s26] =	ssyncadd.s32 $0xFFFFD800;
	(pc) =	sbr.rel @p0 .LBB2_4-.Ltmp1, $4  }
0x6d: {  	[spmem:s2] =	stream.indirect.scatter.add.f32 [tilespmem:s24], [sflag:$0x4], $0x80, s23, s22, $0xb8;
	[tilespmem:$0x1DE20] =	vst v63  }
0x6e: {  	_ =	swait.ge [sflag:s20], $0x2800  }
0x6f: {  	[sflag:s20] =	ssyncset.done $0x0  }
0x70: {  	s18 =	sadd.s32 $0x140F0, s18;
	[sflag:s20] =	ssyncadd.s32 $0xFFFFD800  }
0x71: {  	[tilespmem:s24], [sflag:$0x2] =	stream.indirect.gather [hbm4b:s4+s22], $0x80, s18, s22, $0xb8;
	[tilespmem:$0x1DE20] =	vst v63  }
0x72: {  	_ =	swait.ge [sflag:s25], $0x2800  }
0x73: {  	[sflag:s25] =	ssyncset.done $0x0  }
0x74: {  	[sflag:s25] =	ssyncadd.s32 $0xFFFFD800  }
0x75: {  	[spmem:s2] =	stream.indirect.scatter.add.f32 [tilespmem:s19], [sflag:$0x4], $0x80, s28, s22, $0xb8;
	[tilespmem:$0x1DE20] =	vst v63  }
0x76: {  	_ =	swait.ge [sflag:s20], $0x2800  }
0x77: {  	[sflag:s20] =	ssyncset.done $0x0  }
0x78: {  	[sflag:s20] =	ssyncadd.s32 $0xFFFFD800  }
0x79: {  	[tilespmem:s19], [sflag:$0x1] =	stream.indirect.gather [hbm4b:s4+s22], $0x80, s29, s22, $0xb8;
	[tilespmem:$0x1DE20] =	vst v63  }
0x7a: {  	_ =	swait.ge [sflag:s26], $0x2800  }
0x7b: {  	[sflag:s26] =	ssyncset.done $0x0  }
0x7c: {  	[sflag:s26] =	ssyncadd.s32 $0xFFFFD800  }
0x7d: {  	[spmem:s2] =	stream.indirect.scatter.add.f32 [tilespmem:s24], [sflag:$0x4], $0x80, s30, s22, $0xb8;
	[tilespmem:$0x1DE20] =	vst v63  }
0x7e: {  	_ =	swait.ge [sflag:s20], $0x2800  }
0x7f: {  	[sflag:s20] =	ssyncset.done $0x0  }
0x80: {  	[sflag:s20] =	ssyncadd.s32 $0xFFFFD800  }
0x81: {  	_ =	swait.ge [sflag:s25], $0x2800  }
0x82: {  	[sflag:s25] =	ssyncset.done $0x0  }
0x83: {  	[sflag:s25] =	ssyncadd.s32 $0xFFFFD800  }
0x84: {  	[spmem:s2] =	stream.indirect.scatter.add.f32 [tilespmem:s19], [sflag:$0x4], $0x80, s31, s22, $0xb8;
	[tilespmem:$0x1DE20] =	vst v63  }
0x85: {  	s1 =	stileid.u32;
	_ =	swait.ge [sflag:s20], $0x2800  }
0x86: {  	s23 =	sshrl.u32 s7, $0x3;
	s0 =	sadd.s32 $0x1, s0;
	[sflag:s20] =	ssyncset.done $0x0  }
0x87: {  	s1 =	sshll.u32 s1, $0x6;
	p0 =	sne.s32 s0, s16;
	[sflag:s20] =	ssyncadd.s32 $0xFFFFD800  }
.Ltmp2:
0x88: {  	s1 =	sor.u32 $0x1C04, s1;
	[bflag:$0x0] =	sbarrier.arrive $0xFFFF;
	(pc) =	sbr.rel @p0 .LBB2_1-.Ltmp2, $4  }
0x89: {  	[hbm:s15], [sflag:s1] =	dma.local [spmem:s23], $0x2800  }
0x8a: {  	_ =	swait.ge [sflag:s20], $0x2800  }
0x8b: {  	[sflag:s20] =	ssyncset.done $0x0  }
0x8c: {  	[sflag:s20] =	ssyncadd.s32 $0xFFFFD800  }
0x8d: {  	_ =	sfence.sel $0x180000  }
0x8e: {  	[bflag:$0x0] =	sbarrier.arrive $0xFFFF  }
0x8f: {  	_ =	strace $0x9000004A  }
0x90: {  	s0 =	stileid.u32;
	[bflag:$0x2] =	sbarrier.arrive $0xFFFF  }
0x91: {  	p0 =	sne.s32 s0, $0x0;
	s0 =	rddreg [dreg:$0x2]  }
0x92: {  	s0 =	sadd.s32 @!p0 $0x100000, s0  }
0x93: {  	[sflag:s0] =	ssyncadd.tile.s32 @!p0 $0x1;
	_ =	shalt  }
.Lfunc_end2:
_tile_overlayer_lowered:
.L_overlay_start_2:
0x94: {  	(tag) =	ssettag $0x2  }
0x95: {  	s0 =	rddreg [dreg:$0x0];
	s2 =	stileid.u32  }
0x96: {  	s1 =	rddreg [dreg:$0x1];
	p0 =	sne.s32 s2, $0x0  }
0x97: {  	s3 =	rddreg [dreg:$0x2];
	[bflag:$0x3] =	sbarrier.arrive $0xFFFF;
	s2 =	simm.s32 @!p0 $0x1C01  }
0x98: {  	[timem:s3], [sflag:s2] =	dma.local @!p0 [hbm:s0], s1  }
0x99: {  	s0 =	simm.s32 @!p0 $0x1  }
0x9a: {  	_ =	swait.ge @!p0 [sflag:s0], s1  }
0x9b: {  	s1 =	ssub.s32 @!p0 $0x0, s1;
	[sflag:s0] =	ssyncset.done @!p0 $0x0  }
0x9c: {  	[sflag:s0] =	ssyncadd.s32 @!p0 s1  }
0x9d: {  	[bflag:$0x3] =	sbarrier.arrive $0xFFFF  }
0x9e: {  	_ =	shalt  }

// kernel: kernel.15.cloned.1.call-start
scs
__scs_entry_jumppad:
0x0: {  	(pc) =	sbr.rel $0x88, $3  }
0x1: {  	(tag) =	ssettag $0x0;
	lr =	simm.s32 $0x1  }
0x2: {  	[smem:$0x3F9B] =	sst lr;
	_ =	strace $0xD0000000  }
0x3: {  	_ = 	snop  }
0x4: {  	_ = 	snop  }
0x5: {  	_ = 	snop  }
0x6: {  	_ = 	snop  }
0x7: {  	_ = 	snop  }
__scs_overlays_trampoline_lowered:
0x8: {  	[smem:$0x3FAA] =	sst s0  }
0x9: {  	[smem:$0x3FAB] =	sst s1  }
0xa: {  	[smem:$0x3FAC] =	sst s2  }
0xb: {  	[smem:$0x3FAD] =	sst s3  }
0xc: {  	[smem:$0x3FAE] =	sst s4  }
0xd: {  	[smem:$0x3FAF] =	sst s5  }
0xe: {  	[smem:$0x3FB0] =	sst s6  }
0xf: {  	[smem:$0x3FB1] =	sst s7  }
0x10: {  	[smem:$0x3FB2] =	sst s8  }
0x11: {  	[smem:$0x3FB3] =	sst s9;
	s0 =	simm.s32 @!p0 $0x0  }
0x12: {  	s1 =	sld [smem:$0x3F99];
	s0 =	simm.s32 @p0 $0x1  }
0x13: {  	[smem:$0x3FB4] =	sst s0;
	s0 =	simm.s32 @!p1 $0x0  }
0x14: {  	s2 =	sld [smem:$0x3F98];
	s0 =	simm.s32 @p1 $0x1  }
0x15: {  	[smem:$0x3FB5] =	sst s0;
	s0 =	simm.s32 @!p2 $0x0  }
0x16: {  	s3 =	sld [smem:$0x3FDB];
	s0 =	simm.s32 @p2 $0x1  }
0x17: {  	s4 =	simm.s32 $0x1BF5;
	[smem:$0x3FB7] =	sst s0  }
0x18: {  	s0 =	sld [smem:$0x3F9A];
	_ =	swait.ge [sflag:s4], $0x0  }
0x19: {  	s7 =	sld [smem:$0x3F9B]  }
0x1a: {  	s8 =	sadd.s32 $0xFFFFE003, lr  }
0x1b: {  	s9 =	sadd.s32 $0xFFFFFEF7, lr;
	s5 =	simm.s32 $0xFFFFFFFF;
	p2 =	slt.u32 s8, $0xFFFFF086  }
0x1c: {  	p1 =	slt.u32 s9, $0xF7A;
	s5 =	simm.s32 @!p2 $0x0  }
0x1d: {  	s5 =	simm.s32 @p1 $0x1;
	p0 =	seq.s32 s7, s2  }
0x1e: {  	s7 =	smul.u32 @!p0 $0xF7A, s2;
	p2 =	seq.s32 @!p0 s5, $0x0  }
0x1f: {  	s9 =	smul.u32 $0xF7A, s1;
	s8 =	simm.s32 @!p0 $0x1BF5;
	p2 =	por !p2, p0  }
0x20: {  	[sflag:s8] =	ssyncset.s32 @!p0 $0xFFFFF086;
	s6 =	sadd.s32 @!p0 s3, s7;
	s7 =	simm.s32 @!p0 $0x108  }
0x21: {  	s3 =	sadd.s32 s3, s9;
	s6 =	sadd.s32 @!p0 $0x88, s6;
	s7 =	simm.s32 @p2 $0x1082  }
0x22: {  	[simem:s7], [sflag:s8] =	dma.local @!p0 [hbm:s6], $0xF7A  }
0x23: {  	s9 =	sor.u32 $0xD0000000, s2;
	s6 =	simm.s32 $0x108;
	_ =	swait.ge @!p0 [sflag:s8], $0x0  }
0x24: {  	s3 =	sadd.s32 $0x88, s3;
	s6 =	simm.s32 @!p1 $0x1082;
	[sflag:s4] =	ssyncset.s32 $0xFFFFF086  }
0x25: {  	[simem:s6], [sflag:s4] =	dma.local [hbm:s3], $0xF7A  }
0x26: {  	[smem:$0x3F9B] =	sst s1;
	(tag) =	ssettag s2;
	_ =	strace s9  }
0x27: {  	s1 =	sld [smem:$0x3FAB]  }
0x28: {  	s2 =	sld [smem:$0x3FAC]  }
0x29: {  	s4 =	sld [smem:$0x3FAE]  }
0x2a: {  	p0 =	seq.s32 s5, $0x0;
	s5 =	sld [smem:$0x3FAF]  }
0x2b: {  	s6 =	sld [smem:$0x3FB0]  }
0x2c: {  	s7 =	sld [smem:$0x3FB1]  }
0x2d: {  	s3 =	simm.s32 $0x108;
	s8 =	sld [smem:$0x3FB2]  }
0x2e: {  	s3 =	simm.s32 @!p0 $0x1082;
	s9 =	sld [smem:$0x3FB3]  }
0x2f: {  	lr =	sadd.s32 s0, s3;
	s0 =	sld [smem:$0x3FAA]  }
0x30: {  	s3 =	sld [smem:$0x3FAD]  }
0x31: {  	[smem:$0x3FB6] =	sst s10  }
0x32: {  	s10 =	sld [smem:$0x3FB4];
	_ =	sdelay $0x3  }
0x33: {  	p0 =	seq.s32 s10, $0x1;
	s10 =	sld [smem:$0x3FB6];
	_ =	sdelay $0x3  }
0x34: {  	[smem:$0x3FB6] =	sst s10  }
0x35: {  	s10 =	sld [smem:$0x3FB5];
	_ =	sdelay $0x3  }
0x36: {  	p1 =	seq.s32 s10, $0x1;
	s10 =	sld [smem:$0x3FB6];
	_ =	sdelay $0x3  }
0x37: {  	[smem:$0x3FB6] =	sst s10  }
0x38: {  	s10 =	sld [smem:$0x3FB7]  }
0x39: {  	_ = 	snop;
	(pc) =	sbr.ind lr, $3  }
0x3a: {  	_ = 	snop  }
0x3b: {  	_ = 	snop  }
0x3c: {  	p2 =	seq.s32 s10, $0x1;
	s10 =	sld [smem:$0x3FB6]  }
0x3d: {  	_ =	shalt  }
0x3e: {  	_ =	shalt  }
0x3f: {  	_ =	shalt  }
0x40: {  	_ =	shalt  }
0x41: {  	_ =	shalt  }
0x42: {  	_ =	shalt  }
0x43: {  	_ =	shalt  }
0x44: {  	_ =	shalt  }
0x45: {  	_ =	shalt  }
0x46: {  	_ =	shalt  }
0x47: {  	_ =	shalt  }
0x48: {  	_ =	shalt  }
0x49: {  	_ =	shalt  }
0x4a: {  	_ =	shalt  }
0x4b: {  	_ =	shalt  }
0x4c: {  	_ =	shalt  }
0x4d: {  	_ =	shalt  }
0x4e: {  	_ =	shalt  }
0x4f: {  	_ =	shalt  }
0x50: {  	_ =	shalt  }
0x51: {  	_ =	shalt  }
0x52: {  	_ =	shalt  }
0x53: {  	_ =	shalt  }
0x54: {  	_ =	shalt  }
0x55: {  	_ =	shalt  }
0x56: {  	_ =	shalt  }
0x57: {  	_ =	shalt  }
0x58: {  	_ =	shalt  }
0x59: {  	_ =	shalt  }
0x5a: {  	_ =	shalt  }
0x5b: {  	_ =	shalt  }
0x5c: {  	_ =	shalt  }
0x5d: {  	_ =	shalt  }
0x5e: {  	_ =	shalt  }
0x5f: {  	_ =	shalt  }
0x60: {  	_ =	shalt  }
0x61: {  	_ =	shalt  }
0x62: {  	_ =	shalt  }
0x63: {  	_ =	shalt  }
0x64: {  	_ =	shalt  }
0x65: {  	_ =	shalt  }
0x66: {  	_ =	shalt  }
0x67: {  	_ =	shalt  }
0x68: {  	_ =	shalt  }
0x69: {  	_ =	shalt  }
0x6a: {  	_ =	shalt  }
0x6b: {  	_ =	shalt  }
0x6c: {  	_ =	shalt  }
0x6d: {  	_ =	shalt  }
0x6e: {  	_ =	shalt  }
0x6f: {  	_ =	shalt  }
0x70: {  	_ =	shalt  }
0x71: {  	_ =	shalt  }
0x72: {  	_ =	shalt  }
0x73: {  	_ =	shalt  }
0x74: {  	_ =	shalt  }
0x75: {  	_ =	shalt  }
0x76: {  	_ =	shalt  }
0x77: {  	_ =	shalt  }
0x78: {  	_ =	shalt  }
0x79: {  	_ =	shalt  }
0x7a: {  	_ =	shalt  }
0x7b: {  	_ =	shalt  }
0x7c: {  	_ =	shalt  }
0x7d: {  	_ =	shalt  }
0x7e: {  	_ =	shalt  }
0x7f: {  	_ =	shalt  }
0x80: {  	_ =	shalt  }
0x81: {  	_ =	shalt  }
0x82: {  	_ =	shalt  }
0x83: {  	_ =	shalt  }
0x84: {  	_ =	shalt  }
0x85: {  	_ =	shalt  }
0x86: {  	_ =	shalt  }
0x87: {  	_ =	shalt  }
.Lfunc_end0:
.L_simem_size_0:
called_computation.2_lowered:
.L_overlay_start_0:
0x88: {  	s2 =	sld [smem:$0x3FD9]  }
0x89: {  	s3 =	sld [smem:$0x3FFE];
	_ =	sdelay $0x1  }
0x8a: {  	s1 =	srdreg.scid  }
0x8b: {  	s0 =	sand.u32 $0x1, s1  }
0x8c: {  	s16 =	sshll.u32 s0, $0xA;
	s2 =	sadd.s32 s3, s2  }
0x8d: {  	s2 =	sadd.s32 s2, s16  }
0x8e: {  	[smem:$0x3FC2] =	sst s2  }
0x8f: {  	_ = 	snop  }
0x90: {  	(tm) =	ssettm $0x1  }
0x91: {  	s17 =	sld [smem:$0x3FFB];
	_ =	sdelay $0x3  }
0x92: {  	_ =	strace s17  }
0x93: {  	s2 =	sld [smem:$0x3FFC];
	_ =	sdelay $0x3  }
0x94: {  	_ =	strace s2  }
0x95: {  	s2 =	sld [smem:$0x3FFD];
	_ =	sdelay $0x3  }
0x96: {  	_ =	strace s2  }
0x97: {  	_ =	strace $0x8FFFFFFF  }
0x98: {  	s18 =	sld [smem:$0x3FDB];
	_ =	sdelay $0x1  }
0x99: {  	s19 =	simm.s32 $_scs_section_size  }
0x9a: {  	s4 =	simm.s32 $_size__tile_overlayer_lowered;
	s5 =	simm.s32 $_tile_overlayer_lowered  }
0x9b: {  	s22 =	simm.s32 $0x1BFF;
	s21 =	sshll.u32 s5, $0x1;
	s2 =	sadd.s32 s19, s18  }
0x9c: {  	s6 =	simm.s32 $0x0;
	s20 =	sshll.u32 s4, $0x1;
	s4 =	sadd.s32 s21, s2  }
0x9d: {  	[timem:s6], [sflag:s22] =	dma.local [hbm:s4], s20  }
0x9e: {  	_ =	swait.ge [sflag:s22], s20  }
0x9f: {  	s3 =	ssub.s32 $0x0, s20;
	[sflag:s22] =	ssyncset.done $0x0  }
0xa0: {  	[sflag:s22] =	ssyncadd.s32 s3;
	_ =	sdelay $0x1  }
0xa1: {  	s23 =	simm.s32 $0x1B8B  }
0xa2: {  	_ =	swait.ge [sflag:s23], $0x1  }
0xa3: {  	[sflag:s23] =	ssyncset.done $0x0  }
0xa4: {  	s25 =	simm.s32 $0x1B8E;
	s24 =	sld [smem:$0x3FFE];
	[sflag:s23] =	ssyncadd.s32 $0xFFFFFFFF  }
0xa5: {  	s26 =	simm.s32 $execute0_lowered;
	[smem:$0x3FD2] =	sst s25  }
0xa6: {  	s4 =	sshll.u32 s26, $0x1;
	_ =	strace $0x8000004C;
	[dreg:$0x1] =	wrdreg $0xFFFFFFFF  }
0xa7: {  	s28 =	simm.s32 $_size_execute0_lowered;
	s2 =	sadd.s32 s2, s4;
	[dreg:$0x0] =	wrdreg $0x0  }
0xa8: {  	s4 =	sshll.u32 s28, $0x1;
	[dreg:$0x2] =	wrdreg s2  }
0xa9: {  	[dreg:$0x3] =	wrdreg s4  }
0xaa: {  	[dreg:$0x4] =	wrdreg $0xC0  }
0xab: {  	_ =	task [dreg:s6], $0x5FFFF  }
0xac: {  	[dreg:$0x1] =	wrdreg $0xFFFFFFFF  }
0xad: {  	[dreg:$0x0] =	wrdreg $0x60  }
0xae: {  	[dreg:$0x2] =	wrdreg s24  }
0xaf: {  	[dreg:$0x3] =	wrdreg $0x0  }
0xb0: {  	[dreg:$0x4] =	wrdreg $0x9  }
0xb1: {  	_ =	task.clear_ibuf [dreg:s6], $0x5FFFF;
	_ =	strace $0x9000004C  }
0xb2: {  	s29 =	simm.s32 $0x9;
	_ =	strace $0x8000004E  }
0xb3: {  	_ =	swait.ge [sflag:s29], $0x1  }
0xb4: {  	[sflag:s29] =	ssyncadd.s32 $0xFFFFFFFF  }
0xb5: {  	_ =	strace $0x9000004E  }
0xb6: {  	_ =	sfence  }
0xb7: {  	s30 =	sld [smem:$0x0];
	_ =	sdelay $0x2  }
0xb8: {  	s31 =	sshll.u32 s1, $0xD;
	s1 =	sshrl.u32 s1, $0x2  }
0xb9: {  	s3 =	sand.u32 $0x4000, s31;
	s1 =	sadd.s32 s1, s30  }
0xba: {  	s0 =	sor.u32 s3, s0;
	s1 =	sshll.u32 s1, $0x11  }
0xbb: {  	s0 =	sor.u32 s1, s0  }
0xbc: {  	s0 =	sadd.s32 $0x8F2B, s0  }
0xbd: {  	[sflag:s0] =	ssyncadd.remote.s32 $0x1  }
0xbe: {  	_ =	sfence.sel $0xFFFF  }
0xbf: {  	[dreg:$0x0] =	wrdreg $0xFFFFFFFF;
	(pc) =	sbr.abs _section_cstart, $3  }
0xc0: {  	[dreg:$0x1] =	wrdreg $0xFFFFFFFF  }
0xc1: {  	_ =	task.clear_ibuf [dreg:s6], $0x2FFFF;
	_ =	strace $0x9FFFFFFF  }
0xc2: {  	(tm) =	ssettm $0x7FFFFFFF  }
0xc3: {  	_ =	shalt  }
tec
execute0_lowered:
.L_overlay_start_1:
0x0: {  	(tag) =	ssettag $0x1  }
0x1: {  	s4 =	rddreg [dreg:$0x0]  }
0x2: {  	s0 =	stileid.u32;
	s7 =	rddreg [dreg:$0x1]  }
0x3: {  	s2 =	srdreg.scid;
	s13 =	simm.s32 $0x7700;
	s14 =	simm.s32 $0x2800  }
0x4: {  	s15 =	simm.s32 $0x1;
	s16 =	simm.s32 $0x9E80;
	s17 =	simm.s32 $0x2  }
0x5: {  	s18 =	simm.s32 $0x1400;
	s19 =	simm.s32 $0x14000;
	s20 =	simm.s32 $0xC680  }
0x6: {  	s21 =	simm.s32 $0x100;
	s22 =	simm.s32 $0xEE80;
	s23 =	simm.s32 $0x0  }
0x7: {  	s1 =	sshrl.u32 s0, $0x2;
	s5 =	sshll.u32 s0, $0x8;
	s26 =	smul.u32 $0x500, s0  }
0x8: {  	s6 =	sand.u32 $0x1, s2;
	s2 =	simm.s32 $0x0;
	s30 =	smul.u32 $0x5000, s0  }
0x9: {  	s28 =	sshrl.u32 s0, $0x3;
	s3 =	smul.u32 $0x13C00, s1;
	s1 =	rddreg [dreg:$0x2]  }
0xa: {  	s31 =	sshll.u32 s0, $0x7;
	s5 =	sand.u32 $0x300, s5;
	[smem:$0x7FF] =	sst s2  }
0xb: {  	s8 =	sshll.u32 s6, $0x7;
	s6 =	ssub.s32 $0x2, s6;
	_ =	strace $0x8000004D  }
0xc: {  	s29 =	sshrl.u32 s6, $0x1;
	s12 =	sshrl.u32 s30, $0x2;
	s3 =	sor.u32 s3, s5  }
0xd: {  	s5 =	sor.u32 s8, s26;
	s11 =	ssub.s32 s6, s29;
	s3 =	sor.u32 s8, s3  }
0xe: {  	s5 =	sshrl.u32 s5, $0x3;
	s8 =	smul.u32 $0x50000, s28;
	s9 =	sshrl.u32 s3, $0x3  }
0xf: {  	s3 =	sadd.s32 $0x2C00, s4;
	s10 =	sadd.s32 s5, s4;
	s9 =	sadd.s32 s9, s4  }
0x10: {  	s8 =	sshrl.u32 s8, $0x2;
	s4 =	sadd.s32 $0x20600, s9;
	s5 =	sadd.s32 $0x16800, s9  }
0x11: {  	s9 =	sand.u32 $0x380, s31;
	s8 =	sadd.s32 s8, s7;
	s7 =	sadd.s32 s12, s7  }
0x12: {  	s12 =	simm.s32 $0x4F80;
	s6 =	sadd.s32 s9, s8;
	s8 =	sadd.s32 $0x3200, s10  }
0x13: {  	v0 =	vimm.f32 $0.0e+00;
	s9 =	smax.u32 s11, $0x1;
	s10 =	simm.s32 $0x80;
	s11 =	simm.s32 $0x400  }
.LBB2_1:
0x14: {  	[tilespmem:s12], [sflag:$0x1] =	stream.strided.gather [hbm4b:s4+s10], $0x2780, s11, s10, $0x38;
	[tilespmem:$0xF100] =	vst v63  }
0x15: {  	_ = 	snop  }
0x16: {  	[tilespmem:s13], [sflag:$0x1] =	stream.linear.gather [hbm4b:s3+s2], $0x2780, $0x38;
	[tilespmem:$0xF100] =	vst v63  }
0x17: {  	s24 =	simm.s32 $0x40;
	s25 =	simm.s32 $0x0  }
0x18: {  	[tilespmem:s14], [sflag:$0x1] =	stream.strided.gather [hbm4b:s5+s10], $0x2780, s11, s10, $0x38;
	[tilespmem:$0xF100] =	vst v63  }
.LBB2_2:
0x19: {  	p0 =	sne.s32 s24, $0x9FC0;
	[tilespmem:s25+$0x9E80] =	vst v0;
	s25 =	smov.u32 s24;
	s24 =	sadd.s32 $0x40, s24  }
.Ltmp0:
0x1a: {  	(pc) =	sbr.rel @p0 .LBB2_2-.Ltmp0, $2  }
0x1b: {  	_ =	sdelay $0x2  }
0x1c: {  	s25 =	sshra.s32 s25, $0x2  }
0x1d: {  	[tilespmem:s25+$0x9E80] =	vst v0  }
0x1e: {  	_ =	swait.ge [sflag:s15], $0x2780  }
0x1f: {  	[sflag:s15] =	ssyncset.done $0x0  }
0x20: {  	[sflag:s15] =	ssyncadd.s32 $0xFFFFD880  }
0x21: {  	_ =	swait.ge [sflag:s15], $0x2780  }
0x22: {  	[sflag:s15] =	ssyncset.done $0x0  }
0x23: {  	[sflag:s15] =	ssyncadd.s32 $0xFFFFD880  }
0x24: {  	_ =	swait.ge [sflag:s15], $0x2780  }
0x25: {  	[sflag:s15] =	ssyncset.done $0x0  }
0x26: {  	s24 =	simm.s32 $0x0;
	[sflag:s15] =	ssyncadd.s32 $0xFFFFD880  }
0x27: {  	v2 =	vld [tilespmem:s24+$0x2800];
	_ =	sdelay $0x5  }
0x28: {  	v1 =	vld [tilespmem:s24+$0x4F80];
	_ =	sdelay $0x1  }
0x29: {  	s25 =	simm.s32 $0x80;
	s24 =	simm.s32 $0x10;
	v2 =	vld.idx.msk [tilespmem:v2+s13+$0x0], $0xffff  }
.LBB2_4:
0x2a: {  	p0 =	sne.s32 s25, $0x9C00;
	v3 =	vld [tilespmem:s24+$0x2800];
	_ =	sdelay $0x3  }
.Ltmp1:
0x2b: {  	(pc) =	sbr.rel @p0 .LBB2_4-.Ltmp1, $3  }
0x2c: {  	[tilespmem:v1+s16+$0x0] =	vst.idx.add.f32.msk $0xffff, v2  }
0x2d: {  	v1 =	vld [tilespmem:s24+$0x4F80];
	_ =	sdelay $0x1  }
0x2e: {  	s24 =	sshra.s32 s25, $0x2;
	s25 =	sadd.s32 $0x40, s25;
	v2 =	vld.idx.msk [tilespmem:v3+s13+$0x0], $0xffff  }
0x2f: {  	v3 =	vld [tilespmem:s24+$0x2800];
	_ =	sdelay $0x4  }
0x30: {  	v4 =	vld [tilespmem:s24+$0x4F80];
	_ =	sdelay $0x2  }
0x31: {  	v3 =	vld.idx.msk [tilespmem:v3+s13+$0x0], $0xffff;
	_ =	sdelay $0x3  }
0x32: {  	[tilespmem:v1+s16+$0x0] =	vst.idx.add.f32.msk $0xffff, v2  }
0x33: {  	[tilespmem:v4+s16+$0x0] =	vst.idx.add.f32.msk $0xffff, v3  }
0x34: {  	[spmem:s6] =	stream.strided.scatter [tilespmem:s16], [sflag:$0x2], $0x2800, s11, s10, $0x38;
	[tilespmem:$0xF100] =	vst v63  }
0x35: {  	_ =	swait.ge [sflag:s17], $0x2800  }
0x36: {  	[sflag:s17] =	ssyncset.done $0x0  }
0x37: {  	[sflag:s17] =	ssyncadd.s32 $0xFFFFD800  }
0x38: {  	[bflag:$0x0] =	sbarrier.arrive $0xFFFF  }
0x39: {  	[tilespmem:s20], [sflag:$0x2] =	stream.strided.gather [spmem:s7], $0x2800, s19, s18, $0x38;
	[tilespmem:$0xF100] =	vst v63  }
0x3a: {  	s30 =	simm.s32 $0x0;
	_ =	swait.ge [sflag:s17], $0x2800  }
0x3b: {  	s25 =	sand.u32 $0x70, s30;
	s24 =	sand.u32 $0x1C00, s30;
	[sflag:s17] =	ssyncset.done $0x0  }
0x3c: {  	s24 =	sor.u32 s25, s24;
	[sflag:s17] =	ssyncadd.s32 $0xFFFFD800  }
0x3d: {  	v1 =	vld [tilespmem:s24+$0xC680]  }
0x3e: {  	v2 =	vld [tilespmem:s24+$0xC700]  }
0x3f: {  	v3 =	vld [tilespmem:s24+$0xC780]  }
0x40: {  	v4 =	vld [tilespmem:s24+$0xC800]  }
0x41: {  	v5 =	vld [tilespmem:s24+$0xC880]  }
0x42: {  	v6 =	vld [tilespmem:s24+$0xC900]  }
0x43: {  	s31 =	simm.s32 $0x10;
	s26 =	simm.s32 $0x80;
	v7 =	vld [tilespmem:s24+$0xC980]  }
0x44: {  	s26 =	sand.u32 $0x1C00, s26;
	s25 =	sand.u32 $0x70, s31;
	v8 =	vld [tilespmem:s24+$0xCA00]  }
0x45: {  	s25 =	sor.u32 s25, s26;
	v9 =	vld [tilespmem:s24+$0xDB00]  }
0x46: {  	v11 =	vld [tilespmem:s25+$0xC700]  }
0x47: {  	v1 =	vadd.f32 v2, v1;
	v2 =	vld [tilespmem:s25+$0xC680]  }
0x48: {  	v10 =	vld [tilespmem:s24+$0xDA80]  }
0x49: {  	v12 =	vld [tilespmem:s25+$0xC780];
	v1 =	vadd.f32 v3, v1  }
0x4a: {  	v13 =	vld [tilespmem:s25+$0xC800]  }
0x4b: {  	v59 =	vld [tilespmem:s25+$0xC900];
	v1 =	vadd.f32 v4, v1  }
0x4c: {  	v60 =	vld [tilespmem:s25+$0xC980];
	v2 =	vadd.f32 v11, v2  }
0x4d: {  	v11 =	vld [tilespmem:s25+$0xC880];
	v1 =	vadd.f32 v5, v1  }
0x4e: {  	v61 =	vld [tilespmem:s25+$0xDA80];
	v2 =	vadd.f32 v12, v2  }
0x4f: {  	v3 =	vld [tilespmem:s24+$0xDB80];
	v1 =	vadd.f32 v6, v1  }
0x50: {  	v4 =	vld [tilespmem:s24+$0xDC00];
	v2 =	vadd.f32 v13, v2  }
0x51: {  	v5 =	vld [tilespmem:s24+$0xDC80];
	v1 =	vadd.f32 v7, v1  }
0x52: {  	v6 =	vld [tilespmem:s24+$0xDD00];
	v2 =	vadd.f32 v11, v2  }
0x53: {  	v11 =	vld [tilespmem:s25+$0xCA00];
	v1 =	vadd.f32 v8, v1  }
0x54: {  	s30 =	simm.s32 $0x100;
	s26 =	simm.s32 $0x20;
	v7 =	vld [tilespmem:s24+$0xDD80];
	v2 =	vadd.f32 v59, v2  }
0x55: {  	v8 =	vld [tilespmem:s24+$0xDE00];
	s24 =	sand.u32 $0x70, s26;
	s26 =	sand.u32 $0x1C00, s30;
	v1 =	vadd.f32 v10, v1  }
0x56: {  	s24 =	sor.u32 s24, s26;
	v10 =	vld [tilespmem:s25+$0xDB00];
	v2 =	vadd.f32 v60, v2  }
0x57: {  	v62 =	vld [tilespmem:s24+$0xC700];
	v1 =	vadd.f32 v9, v1  }
0x58: {  	v9 =	vld [tilespmem:s24+$0xC680];
	v2 =	vadd.f32 v11, v2  }
0x59: {  	v1 =	vadd.f32 v3, v1;
	v3 =	vld [tilespmem:s25+$0xDB80]  }
0x5a: {  	v11 =	vld [tilespmem:s24+$0xC780];
	v2 =	vadd.f32 v61, v2  }
0x5b: {  	v1 =	vadd.f32 v4, v1;
	v4 =	vld [tilespmem:s25+$0xDC00]  }
0x5c: {  	v63 =	vld [tilespmem:s24+$0xC800];
	v2 =	vadd.f32 v10, v2  }
0x5d: {  	v14 =	vld [tilespmem:s25+$0xDC80];
	v1 =	vadd.f32 v5, v1;
	v5 =	vadd.f32 v62, v9  }
0x5e: {  	v9 =	vld [tilespmem:s24+$0xC880];
	v2 =	vadd.f32 v3, v2  }
0x5f: {  	v10 =	vld [tilespmem:s25+$0xDD00];
	v1 =	vadd.f32 v6, v1;
	v5 =	vadd.f32 v11, v5  }
0x60: {  	v11 =	vld [tilespmem:s24+$0xC900];
	v4 =	vadd.f32 v4, v2  }
0x61: {  	v3 =	vadd.f32 v7, v1;
	v1 =	vld [tilespmem:s25+$0xDD80];
	v6 =	vadd.f32 v63, v5  }
0x62: {  	v5 =	vld [tilespmem:s24+$0xC980];
	v4 =	vadd.f32 v14, v4  }
0x63: {  	v2 =	vld [tilespmem:s25+$0xDE00];
	v7 =	vadd.f32 v8, v3;
	v8 =	vadd.f32 v9, v6  }
0x64: {  	s28 =	simm.s32 $0x180;
	s31 =	simm.s32 $0x30;
	v6 =	vld [tilespmem:s24+$0xCA00]  }
0x65: {  	s29 =	sand.u32 $0x1C00, s28;
	s26 =	sand.u32 $0x70, s31;
	s25 =	simm.s32 $0xEE80;
	v3 =	vld [tilespmem:s24+$0xDB00];
	v4 =	vadd.f32 v10, v4;
	v8 =	vadd.f32 v11, v8  }
0x66: {  	s26 =	sor.u32 s26, s29;
	s29 =	simm.s32 $0x40;
	[tilespmem:s25+$0x0] =	vst v7;
	v7 =	vld [tilespmem:s24+$0xDA80]  }
.LBB2_6:
0x67: {  	p0 =	sne.s32 s29, $0x270;
	v9 =	vld [tilespmem:s26+$0xC680];
	v5 =	vadd.f32 v5, v8;
	v1 =	vadd.f32 v1, v4  }
0x68: {  	v4 =	vld [tilespmem:s26+$0xC700]  }
0x69: {  	v5 =	vadd.f32 v6, v5;
	v6 =	vld [tilespmem:s24+$0xDB80];
	v1 =	vadd.f32 v2, v1  }
0x6a: {  	s25 =	sadd.s32 $0x10, s25;
	v2 =	vld [tilespmem:s26+$0xC780]  }
0x6b: {  	v5 =	vadd.f32 v7, v5;
	v7 =	vld [tilespmem:s24+$0xDC00];
	[tilespmem:s25+$0x0] =	vst v1  }
0x6c: {  	v1 =	vld [tilespmem:s26+$0xC800]  }
0x6d: {  	v4 =	vadd.f32 v4, v9;
	v3 =	vadd.f32 v3, v5;
	v8 =	vld [tilespmem:s24+$0xDC80]  }
0x6e: {  	v9 =	vld [tilespmem:s26+$0xC880]  }
0x6f: {  	v2 =	vadd.f32 v2, v4;
	v3 =	vadd.f32 v6, v3;
	v4 =	vld [tilespmem:s24+$0xDD00]  }
0x70: {  	v10 =	vld [tilespmem:s26+$0xC900]  }
0x71: {  	v2 =	vadd.f32 v1, v2;
	v3 =	vadd.f32 v7, v3;
	v1 =	vld [tilespmem:s24+$0xDD80]  }
.Ltmp2:
0x72: {  	v5 =	vld [tilespmem:s26+$0xC980];
	(pc) =	sbr.rel @p0 .LBB2_6-.Ltmp2, $4  }
0x73: {  	v7 =	vadd.f32 v9, v2;
	v9 =	vadd.f32 v8, v3;
	v2 =	vld [tilespmem:s24+$0xDE00];
	s24 =	smov.u32 s26  }
0x74: {  	s28 =	sadd.s32 $0x80, s28;
	v6 =	vld [tilespmem:s24+$0xCA00]  }
0x75: {  	s30 =	sand.u32 $0x1C00, s28;
	s26 =	sand.u32 $0x70, s29;
	v8 =	vadd.f32 v10, v7;
	v3 =	vld [tilespmem:s24+$0xDB00];
	v4 =	vadd.f32 v4, v9  }
0x76: {  	s29 =	sadd.s32 $0x10, s29;
	s26 =	sor.u32 s26, s30;
	v7 =	vld [tilespmem:s24+$0xDA80]  }
0x77: {  	v9 =	vld [tilespmem:s26+$0xC680]  }
0x78: {  	v10 =	vld [tilespmem:s26+$0xC700];
	_ =	sdelay $0x1  }
0x79: {  	v11 =	vld [tilespmem:s26+$0xC780];
	_ =	sdelay $0x1  }
0x7a: {  	v12 =	vld [tilespmem:s26+$0xC800]  }
0x7b: {  	v9 =	vadd.f32 v10, v9  }
0x7c: {  	v45 =	vld [tilespmem:s26+$0xC880]  }
0x7d: {  	v9 =	vadd.f32 v11, v9  }
0x7e: {  	v46 =	vld [tilespmem:s26+$0xC900]  }
0x7f: {  	v9 =	vadd.f32 v12, v9  }
0x80: {  	v47 =	vld [tilespmem:s26+$0xC980]  }
0x81: {  	v9 =	vadd.f32 v45, v9  }
0x82: {  	v48 =	vld [tilespmem:s26+$0xCA00]  }
0x83: {  	v9 =	vadd.f32 v46, v9  }
0x84: {  	v5 =	vadd.f32 v5, v8;
	v49 =	vld [tilespmem:s26+$0xDA80]  }
0x85: {  	v9 =	vadd.f32 v47, v9  }
0x86: {  	v50 =	vld [tilespmem:s26+$0xDB00];
	v5 =	vadd.f32 v6, v5  }
0x87: {  	v51 =	vld [tilespmem:s24+$0xDB80];
	v9 =	vadd.f32 v48, v9  }
0x88: {  	v52 =	vld [tilespmem:s26+$0xDB80];
	v5 =	vadd.f32 v7, v5  }
0x89: {  	v53 =	vld [tilespmem:s24+$0xDC00];
	v8 =	vadd.f32 v49, v9  }
0x8a: {  	v54 =	vld [tilespmem:s26+$0xDC00];
	v3 =	vadd.f32 v3, v5  }
0x8b: {  	v55 =	vld [tilespmem:s24+$0xDC80];
	v6 =	vadd.f32 v50, v8  }
0x8c: {  	v56 =	vld [tilespmem:s26+$0xDC80];
	v3 =	vadd.f32 v51, v3  }
0x8d: {  	v57 =	vld [tilespmem:s24+$0xDD00];
	v6 =	vadd.f32 v52, v6  }
0x8e: {  	v58 =	vld [tilespmem:s26+$0xDD00];
	v3 =	vadd.f32 v53, v3  }
0x8f: {  	v59 =	vld [tilespmem:s24+$0xDD80];
	v5 =	vadd.f32 v54, v6  }
0x90: {  	v60 =	vld [tilespmem:s26+$0xDD80];
	v3 =	vadd.f32 v55, v3  }
0x91: {  	v61 =	vld [tilespmem:s24+$0xDE00];
	v5 =	vadd.f32 v56, v5  }
0x92: {  	v62 =	vld [tilespmem:s26+$0xDE00];
	v3 =	vadd.f32 v57, v3  }
0x93: {  	v1 =	vadd.f32 v1, v4;
	v63 =	vadd.f32 v58, v5  }
0x94: {  	v3 =	vadd.f32 v59, v3  }
0x95: {  	v1 =	vadd.f32 v2, v1;
	v2 =	vadd.f32 v60, v63  }
0x96: {  	s31 =	sadd.s32 $0x10, s25;
	v3 =	vadd.f32 v61, v3  }
0x97: {  	s23 =	sadd.s32 $0x1, s23;
	s24 =	sadd.s32 $0x10, s31;
	[tilespmem:s31+$0x0] =	vst v1;
	v1 =	vadd.f32 v62, v2  }
0x98: {  	p0 =	sne.s32 s23, s9;
	[tilespmem:s24+$0x0] =	vst v3;
	s24 =	sadd.s32 $0x10, s24  }
.Ltmp3:
0x99: {  	[tilespmem:s24+$0x0] =	vst v1;
	(pc) =	sbr.rel @p0 .LBB2_1-.Ltmp3, $4  }
0x9a: {  	[hbm4b:s8+s10] =	stream.strided.scatter [tilespmem:s22], [sflag:$0x2], $0x280, s21, s10, $0x38;
	[tilespmem:$0xF100] =	vst v63  }
0x9b: {  	_ =	swait.ge [sflag:s17], $0x280  }
0x9c: {  	[sflag:s17] =	ssyncset.done $0x0  }
0x9d: {  	[sflag:s17] =	ssyncadd.s32 $0xFFFFFD80  }
0x9e: {  	_ =	sfence.sel $0x180000  }
0x9f: {  	[bflag:$0x0] =	sbarrier.arrive $0xFFFF  }
0xa0: {  	p0 =	sne.s32 s0, $0x0;
	_ =	strace $0x9000004D  }
0xa1: {  	s0 =	sadd.s32 @!p0 $0x100000, s1;
	[bflag:$0x2] =	sbarrier.arrive $0xFFFF  }
0xa2: {  	[sflag:s0] =	ssyncadd.tile.s32 @!p0 $0x1;
	_ =	shalt  }
.Lfunc_end2:
_tile_overlayer_lowered:
.L_overlay_start_2:
0xa3: {  	(tag) =	ssettag $0x2  }
0xa4: {  	s0 =	rddreg [dreg:$0x0];
	s2 =	stileid.u32  }
0xa5: {  	s1 =	rddreg [dreg:$0x1];
	p0 =	sne.s32 s2, $0x0  }
0xa6: {  	s3 =	rddreg [dreg:$0x2];
	[bflag:$0x3] =	sbarrier.arrive $0xFFFF;
	s2 =	simm.s32 @!p0 $0x1C01  }
0xa7: {  	[timem:s3], [sflag:s2] =	dma.local @!p0 [hbm:s0], s1  }
0xa8: {  	s0 =	simm.s32 @!p0 $0x1  }
0xa9: {  	_ =	swait.ge @!p0 [sflag:s0], s1  }
0xaa: {  	s1 =	ssub.s32 @!p0 $0x0, s1;
	[sflag:s0] =	ssyncset.done @!p0 $0x0  }
0xab: {  	[sflag:s0] =	ssyncadd.s32 @!p0 s1  }
0xac: {  	[bflag:$0x3] =	sbarrier.arrive $0xFFFF  }
0xad: {  	_ =	shalt  }

// kernel: kernel.9.cloned.1.call-start
scs
__scs_entry_jumppad:
0x0: {  	(pc) =	sbr.rel $0x88, $3  }
0x1: {  	(tag) =	ssettag $0x0;
	lr =	simm.s32 $0x1  }
0x2: {  	[smem:$0x3F9B] =	sst lr;
	_ =	strace $0xD0000000  }
0x3: {  	_ = 	snop  }
0x4: {  	_ = 	snop  }
0x5: {  	_ = 	snop  }
0x6: {  	_ = 	snop  }
0x7: {  	_ = 	snop  }
__scs_overlays_trampoline_lowered:
0x8: {  	[smem:$0x3FAA] =	sst s0  }
0x9: {  	[smem:$0x3FAB] =	sst s1  }
0xa: {  	[smem:$0x3FAC] =	sst s2  }
0xb: {  	[smem:$0x3FAD] =	sst s3  }
0xc: {  	[smem:$0x3FAE] =	sst s4  }
0xd: {  	[smem:$0x3FAF] =	sst s5  }
0xe: {  	[smem:$0x3FB0] =	sst s6  }
0xf: {  	[smem:$0x3FB1] =	sst s7  }
0x10: {  	[smem:$0x3FB2] =	sst s8  }
0x11: {  	[smem:$0x3FB3] =	sst s9;
	s0 =	simm.s32 @!p0 $0x0  }
0x12: {  	s1 =	sld [smem:$0x3F99];
	s0 =	simm.s32 @p0 $0x1  }
0x13: {  	[smem:$0x3FB4] =	sst s0;
	s0 =	simm.s32 @!p1 $0x0  }
0x14: {  	s2 =	sld [smem:$0x3F98];
	s0 =	simm.s32 @p1 $0x1  }
0x15: {  	[smem:$0x3FB5] =	sst s0;
	s0 =	simm.s32 @!p2 $0x0  }
0x16: {  	s3 =	sld [smem:$0x3FDB];
	s0 =	simm.s32 @p2 $0x1  }
0x17: {  	s4 =	simm.s32 $0x1BF5;
	[smem:$0x3FB7] =	sst s0  }
0x18: {  	s0 =	sld [smem:$0x3F9A];
	_ =	swait.ge [sflag:s4], $0x0  }
0x19: {  	s7 =	sld [smem:$0x3F9B]  }
0x1a: {  	s8 =	sadd.s32 $0xFFFFE003, lr  }
0x1b: {  	s9 =	sadd.s32 $0xFFFFFEF7, lr;
	s5 =	simm.s32 $0xFFFFFFFF;
	p2 =	slt.u32 s8, $0xFFFFF086  }
0x1c: {  	p1 =	slt.u32 s9, $0xF7A;
	s5 =	simm.s32 @!p2 $0x0  }
0x1d: {  	s5 =	simm.s32 @p1 $0x1;
	p0 =	seq.s32 s7, s2  }
0x1e: {  	s7 =	smul.u32 @!p0 $0xF7A, s2;
	p2 =	seq.s32 @!p0 s5, $0x0  }
0x1f: {  	s9 =	smul.u32 $0xF7A, s1;
	s8 =	simm.s32 @!p0 $0x1BF5;
	p2 =	por !p2, p0  }
0x20: {  	[sflag:s8] =	ssyncset.s32 @!p0 $0xFFFFF086;
	s6 =	sadd.s32 @!p0 s3, s7;
	s7 =	simm.s32 @!p0 $0x108  }
0x21: {  	s3 =	sadd.s32 s3, s9;
	s6 =	sadd.s32 @!p0 $0x88, s6;
	s7 =	simm.s32 @p2 $0x1082  }
0x22: {  	[simem:s7], [sflag:s8] =	dma.local @!p0 [hbm:s6], $0xF7A  }
0x23: {  	s9 =	sor.u32 $0xD0000000, s2;
	s6 =	simm.s32 $0x108;
	_ =	swait.ge @!p0 [sflag:s8], $0x0  }
0x24: {  	s3 =	sadd.s32 $0x88, s3;
	s6 =	simm.s32 @!p1 $0x1082;
	[sflag:s4] =	ssyncset.s32 $0xFFFFF086  }
0x25: {  	[simem:s6], [sflag:s4] =	dma.local [hbm:s3], $0xF7A  }
0x26: {  	[smem:$0x3F9B] =	sst s1;
	(tag) =	ssettag s2;
	_ =	strace s9  }
0x27: {  	s1 =	sld [smem:$0x3FAB]  }
0x28: {  	s2 =	sld [smem:$0x3FAC]  }
0x29: {  	s4 =	sld [smem:$0x3FAE]  }
0x2a: {  	p0 =	seq.s32 s5, $0x0;
	s5 =	sld [smem:$0x3FAF]  }
0x2b: {  	s6 =	sld [smem:$0x3FB0]  }
0x2c: {  	s7 =	sld [smem:$0x3FB1]  }
0x2d: {  	s3 =	simm.s32 $0x108;
	s8 =	sld [smem:$0x3FB2]  }
0x2e: {  	s3 =	simm.s32 @!p0 $0x1082;
	s9 =	sld [smem:$0x3FB3]  }
0x2f: {  	lr =	sadd.s32 s0, s3;
	s0 =	sld [smem:$0x3FAA]  }
0x30: {  	s3 =	sld [smem:$0x3FAD]  }
0x31: {  	[smem:$0x3FB6] =	sst s10  }
0x32: {  	s10 =	sld [smem:$0x3FB4];
	_ =	sdelay $0x3  }
0x33: {  	p0 =	seq.s32 s10, $0x1;
	s10 =	sld [smem:$0x3FB6];
	_ =	sdelay $0x3  }
0x34: {  	[smem:$0x3FB6] =	sst s10  }
0x35: {  	s10 =	sld [smem:$0x3FB5];
	_ =	sdelay $0x3  }
0x36: {  	p1 =	seq.s32 s10, $0x1;
	s10 =	sld [smem:$0x3FB6];
	_ =	sdelay $0x3  }
0x37: {  	[smem:$0x3FB6] =	sst s10  }
0x38: {  	s10 =	sld [smem:$0x3FB7]  }
0x39: {  	_ = 	snop;
	(pc) =	sbr.ind lr, $3  }
0x3a: {  	_ = 	snop  }
0x3b: {  	_ = 	snop  }
0x3c: {  	p2 =	seq.s32 s10, $0x1;
	s10 =	sld [smem:$0x3FB6]  }
0x3d: {  	_ =	shalt  }
0x3e: {  	_ =	shalt  }
0x3f: {  	_ =	shalt  }
0x40: {  	_ =	shalt  }
0x41: {  	_ =	shalt  }
0x42: {  	_ =	shalt  }
0x43: {  	_ =	shalt  }
0x44: {  	_ =	shalt  }
0x45: {  	_ =	shalt  }
0x46: {  	_ =	shalt  }
0x47: {  	_ =	shalt  }
0x48: {  	_ =	shalt  }
0x49: {  	_ =	shalt  }
0x4a: {  	_ =	shalt  }
0x4b: {  	_ =	shalt  }
0x4c: {  	_ =	shalt  }
0x4d: {  	_ =	shalt  }
0x4e: {  	_ =	shalt  }
0x4f: {  	_ =	shalt  }
0x50: {  	_ =	shalt  }
0x51: {  	_ =	shalt  }
0x52: {  	_ =	shalt  }
0x53: {  	_ =	shalt  }
0x54: {  	_ =	shalt  }
0x55: {  	_ =	shalt  }
0x56: {  	_ =	shalt  }
0x57: {  	_ =	shalt  }
0x58: {  	_ =	shalt  }
0x59: {  	_ =	shalt  }
0x5a: {  	_ =	shalt  }
0x5b: {  	_ =	shalt  }
0x5c: {  	_ =	shalt  }
0x5d: {  	_ =	shalt  }
0x5e: {  	_ =	shalt  }
0x5f: {  	_ =	shalt  }
0x60: {  	_ =	shalt  }
0x61: {  	_ =	shalt  }
0x62: {  	_ =	shalt  }
0x63: {  	_ =	shalt  }
0x64: {  	_ =	shalt  }
0x65: {  	_ =	shalt  }
0x66: {  	_ =	shalt  }
0x67: {  	_ =	shalt  }
0x68: {  	_ =	shalt  }
0x69: {  	_ =	shalt  }
0x6a: {  	_ =	shalt  }
0x6b: {  	_ =	shalt  }
0x6c: {  	_ =	shalt  }
0x6d: {  	_ =	shalt  }
0x6e: {  	_ =	shalt  }
0x6f: {  	_ =	shalt  }
0x70: {  	_ =	shalt  }
0x71: {  	_ =	shalt  }
0x72: {  	_ =	shalt  }
0x73: {  	_ =	shalt  }
0x74: {  	_ =	shalt  }
0x75: {  	_ =	shalt  }
0x76: {  	_ =	shalt  }
0x77: {  	_ =	shalt  }
0x78: {  	_ =	shalt  }
0x79: {  	_ =	shalt  }
0x7a: {  	_ =	shalt  }
0x7b: {  	_ =	shalt  }
0x7c: {  	_ =	shalt  }
0x7d: {  	_ =	shalt  }
0x7e: {  	_ =	shalt  }
0x7f: {  	_ =	shalt  }
0x80: {  	_ =	shalt  }
0x81: {  	_ =	shalt  }
0x82: {  	_ =	shalt  }
0x83: {  	_ =	shalt  }
0x84: {  	_ =	shalt  }
0x85: {  	_ =	shalt  }
0x86: {  	_ =	shalt  }
0x87: {  	_ =	shalt  }
.Lfunc_end0:
.L_simem_size_0:
called_computation_lowered:
.L_overlay_start_0:
0x88: {  	s2 =	sld [smem:$0x3FD9]  }
0x89: {  	s3 =	sld [smem:$0x3FFE];
	_ =	sdelay $0x1  }
0x8a: {  	s1 =	srdreg.scid  }
0x8b: {  	s0 =	sand.u32 $0x1, s1  }
0x8c: {  	s16 =	sshll.u32 s0, $0xA;
	s2 =	sadd.s32 s3, s2  }
0x8d: {  	s2 =	sadd.s32 s2, s16  }
0x8e: {  	[smem:$0x3FC2] =	sst s2  }
0x8f: {  	_ = 	snop  }
0x90: {  	(tm) =	ssettm $0x1  }
0x91: {  	s17 =	sld [smem:$0x3FFB];
	_ =	sdelay $0x3  }
0x92: {  	_ =	strace s17  }
0x93: {  	s2 =	sld [smem:$0x3FFC];
	_ =	sdelay $0x3  }
0x94: {  	_ =	strace s2  }
0x95: {  	s2 =	sld [smem:$0x3FFD];
	_ =	sdelay $0x3  }
0x96: {  	_ =	strace s2  }
0x97: {  	_ =	strace $0x8FFFFFFF  }
0x98: {  	s18 =	sld [smem:$0x3FDB];
	_ =	sdelay $0x1  }
0x99: {  	s19 =	simm.s32 $_scs_section_size  }
0x9a: {  	s4 =	simm.s32 $_size__tile_overlayer_lowered;
	s5 =	simm.s32 $_tile_overlayer_lowered  }
0x9b: {  	s22 =	simm.s32 $0x1BFF;
	s21 =	sshll.u32 s5, $0x1;
	s2 =	sadd.s32 s19, s18  }
0x9c: {  	s6 =	simm.s32 $0x0;
	s20 =	sshll.u32 s4, $0x1;
	s4 =	sadd.s32 s21, s2  }
0x9d: {  	[timem:s6], [sflag:s22] =	dma.local [hbm:s4], s20  }
0x9e: {  	_ =	swait.ge [sflag:s22], s20  }
0x9f: {  	s3 =	ssub.s32 $0x0, s20;
	[sflag:s22] =	ssyncset.done $0x0  }
0xa0: {  	[sflag:s22] =	ssyncadd.s32 s3;
	_ =	sdelay $0x1  }
0xa1: {  	s23 =	simm.s32 $0x1B8B  }
0xa2: {  	_ =	swait.ge [sflag:s23], $0x1  }
0xa3: {  	[sflag:s23] =	ssyncset.done $0x0  }
0xa4: {  	s25 =	simm.s32 $0x1B8E;
	s24 =	sld [smem:$0x3FFE];
	[sflag:s23] =	ssyncadd.s32 $0xFFFFFFFF  }
0xa5: {  	s26 =	simm.s32 $execute0_lowered;
	[smem:$0x3FD2] =	sst s25  }
0xa6: {  	s4 =	sshll.u32 s26, $0x1;
	_ =	strace $0x80000046;
	[dreg:$0x1] =	wrdreg $0xFFFFFFFF  }
0xa7: {  	s28 =	simm.s32 $_size_execute0_lowered;
	s2 =	sadd.s32 s2, s4;
	[dreg:$0x0] =	wrdreg $0x0  }
0xa8: {  	s4 =	sshll.u32 s28, $0x1;
	[dreg:$0x2] =	wrdreg s2  }
0xa9: {  	[dreg:$0x3] =	wrdreg s4  }
0xaa: {  	[dreg:$0x4] =	wrdreg $0xC0  }
0xab: {  	_ =	task [dreg:s6], $0x5FFFF  }
0xac: {  	[dreg:$0x1] =	wrdreg $0xFFFFFFFF  }
0xad: {  	[dreg:$0x0] =	wrdreg $0x60  }
0xae: {  	[dreg:$0x2] =	wrdreg s24  }
0xaf: {  	[dreg:$0x3] =	wrdreg $0x0  }
0xb0: {  	[dreg:$0x4] =	wrdreg $0x9  }
0xb1: {  	_ =	task.clear_ibuf [dreg:s6], $0x5FFFF;
	_ =	strace $0x90000046  }
0xb2: {  	s29 =	simm.s32 $0x9;
	_ =	strace $0x80000048  }
0xb3: {  	_ =	swait.ge [sflag:s29], $0x1  }
0xb4: {  	[sflag:s29] =	ssyncadd.s32 $0xFFFFFFFF  }
0xb5: {  	_ =	strace $0x90000048  }
0xb6: {  	_ =	sfence  }
0xb7: {  	s30 =	sld [smem:$0x0];
	_ =	sdelay $0x2  }
0xb8: {  	s31 =	sshll.u32 s1, $0xD;
	s1 =	sshrl.u32 s1, $0x2  }
0xb9: {  	s3 =	sand.u32 $0x4000, s31;
	s1 =	sadd.s32 s1, s30  }
0xba: {  	s0 =	sor.u32 s3, s0;
	s1 =	sshll.u32 s1, $0x11  }
0xbb: {  	s0 =	sor.u32 s1, s0  }
0xbc: {  	s0 =	sadd.s32 $0x8F2B, s0  }
0xbd: {  	[sflag:s0] =	ssyncadd.remote.s32 $0x1  }
0xbe: {  	_ =	sfence.sel $0xFFFF  }
0xbf: {  	[dreg:$0x0] =	wrdreg $0xFFFFFFFF;
	(pc) =	sbr.abs _section_cstart, $3  }
0xc0: {  	[dreg:$0x1] =	wrdreg $0xFFFFFFFF  }
0xc1: {  	_ =	task.clear_ibuf [dreg:s6], $0x2FFFF;
	_ =	strace $0x9FFFFFFF  }
0xc2: {  	(tm) =	ssettm $0x7FFFFFFF  }
0xc3: {  	_ =	shalt  }
tec
execute0_lowered:
.L_overlay_start_1:
0x0: {  	(tag) =	ssettag $0x1  }
0x1: {  	s0 =	stileid.u32;
	s4 =	rddreg [dreg:$0x0]  }
0x2: {  	s2 =	srdreg.scid;
	s6 =	rddreg [dreg:$0x1]  }
0x3: {  	s11 =	simm.s32 $0x1;
	s12 =	simm.s32 $0x4F80;
	s13 =	simm.s32 $0x2  }
0x4: {  	s14 =	simm.s32 $0x1400;
	s15 =	simm.s32 $0x14000;
	s16 =	simm.s32 $0x7780  }
0x5: {  	s17 =	simm.s32 $0x100;
	s18 =	simm.s32 $0x9F80;
	s1 =	sshrl.u32 s0, $0x2  }
0x6: {  	s3 =	sshll.u32 s0, $0x8;
	s5 =	sand.u32 $0x1, s2;
	s8 =	smul.u32 $0x500, s0  }
0x7: {  	s2 =	simm.s32 $0x0;
	s26 =	sshrl.u32 s0, $0x3;
	s28 =	smul.u32 $0x5000, s0  }
0x8: {  	s29 =	sshll.u32 s0, $0x7;
	s1 =	smul.u32 $0x13C00, s1;
	s24 =	sand.u32 $0x300, s3  }
0x9: {  	s25 =	sshll.u32 s5, $0x7;
	[smem:$0x7FF] =	sst s2;
	s5 =	ssub.s32 $0x2, s5  }
0xa: {  	s3 =	sor.u32 s25, s8;
	s9 =	sshrl.u32 s5, $0x1;
	s8 =	smul.u32 $0x50000, s26  }
0xb: {  	s31 =	sshrl.u32 s28, $0x2;
	s7 =	sor.u32 s1, s24;
	s1 =	rddreg [dreg:$0x2]  }
0xc: {  	_ =	strace $0x80000047;
	s3 =	sshrl.u32 s3, $0x3;
	s7 =	sor.u32 s25, s7  }
0xd: {  	s9 =	ssub.s32 s5, s9;
	s5 =	sand.u32 $0x380, s29;
	s7 =	sshrl.u32 s7, $0x3  }
0xe: {  	s10 =	sadd.s32 s3, s4;
	s30 =	sshrl.u32 s8, $0x2;
	s7 =	sadd.s32 s7, s4  }
0xf: {  	s8 =	simm.s32 $0x80;
	s3 =	sadd.s32 $0x20600, s7;
	s7 =	sadd.s32 s30, s6  }
0x10: {  	s4 =	sadd.s32 s5, s7;
	s5 =	sadd.s32 s31, s6;
	s6 =	sadd.s32 $0x2AA00, s10  }
0x11: {  	v0 =	vimm.f32 $0.0e+00;
	v1 =	vimm.f32 $1.000000000e+00;
	s7 =	smax.u32 s9, $0x1;
	s9 =	simm.s32 $0x400;
	s10 =	simm.s32 $0x2800  }
.LBB2_1:
0x12: {  	[tilespmem:s10], [sflag:$0x1] =	stream.strided.gather [hbm4b:s3+s8], $0x2780, s9, s8, $0x38;
	[tilespmem:$0xA200] =	vst v63  }
0x13: {  	s19 =	simm.s32 $0x40;
	s20 =	simm.s32 $0x0  }
.LBB2_2:
0x14: {  	p0 =	sne.s32 s19, $0x9FC0;
	[tilespmem:s20+$0x4F80] =	vst v0;
	s20 =	smov.u32 s19;
	s19 =	sadd.s32 $0x40, s19  }
.Ltmp0:
0x15: {  	(pc) =	sbr.rel @p0 .LBB2_2-.Ltmp0, $2  }
0x16: {  	_ =	sdelay $0x2  }
0x17: {  	s20 =	sshra.s32 s20, $0x2  }
0x18: {  	[tilespmem:s20+$0x4F80] =	vst v0  }
0x19: {  	_ =	swait.ge [sflag:s11], $0x2780  }
0x1a: {  	[sflag:s11] =	ssyncset.done $0x0  }
0x1b: {  	s20 =	simm.s32 $0x0;
	s19 =	simm.s32 $0x40;
	[sflag:s11] =	ssyncadd.s32 $0xFFFFD880  }
.LBB2_4:
0x1c: {  	p0 =	sne.s32 s19, $0x9C00;
	v2 =	vld [tilespmem:s20+$0x2800];
	_ =	sdelay $0x3  }
.Ltmp1:
0x1d: {  	(pc) =	sbr.rel @p0 .LBB2_4-.Ltmp1, $2  }
0x1e: {  	_ =	sdelay $0x2  }
0x1f: {  	s20 =	sshra.s32 s19, $0x2;
	s19 =	sadd.s32 $0x40, s19;
	[tilespmem:v2+s12+$0x0] =	vst.idx.add.f32.msk $0xffff, v1  }
0x20: {  	v2 =	vld [tilespmem:s20+$0x2800];
	_ =	sdelay $0x7  }
0x21: {  	[tilespmem:v2+s12+$0x0] =	vst.idx.add.f32.msk $0xffff, v1  }
0x22: {  	[spmem:s4] =	stream.strided.scatter [tilespmem:s12], [sflag:$0x2], $0x2800, s9, s8, $0x38;
	[tilespmem:$0xA200] =	vst v63  }
0x23: {  	_ =	swait.ge [sflag:s13], $0x2800  }
0x24: {  	[sflag:s13] =	ssyncset.done $0x0  }
0x25: {  	[sflag:s13] =	ssyncadd.s32 $0xFFFFD800  }
0x26: {  	[bflag:$0x0] =	sbarrier.arrive $0xFFFF  }
0x27: {  	[tilespmem:s16], [sflag:$0x2] =	stream.strided.gather [spmem:s5], $0x2800, s15, s14, $0x38;
	[tilespmem:$0xA200] =	vst v63  }
0x28: {  	s19 =	simm.s32 $0x0;
	_ =	swait.ge [sflag:s13], $0x2800  }
0x29: {  	s26 =	sand.u32 $0x70, s19;
	s19 =	sand.u32 $0x1C00, s19;
	[sflag:s13] =	ssyncset.done $0x0  }
0x2a: {  	s19 =	sor.u32 s26, s19;
	[sflag:s13] =	ssyncadd.s32 $0xFFFFD800  }
0x2b: {  	v2 =	vld [tilespmem:s19+$0x7780]  }
0x2c: {  	v3 =	vld [tilespmem:s19+$0x7800]  }
0x2d: {  	v4 =	vld [tilespmem:s19+$0x7880]  }
0x2e: {  	v5 =	vld [tilespmem:s19+$0x7900]  }
0x2f: {  	v6 =	vld [tilespmem:s19+$0x7980]  }
0x30: {  	v7 =	vld [tilespmem:s19+$0x7A00]  }
0x31: {  	s28 =	simm.s32 $0x10;
	s21 =	simm.s32 $0x80;
	v8 =	vld [tilespmem:s19+$0x7A80]  }
0x32: {  	s20 =	sand.u32 $0x70, s28;
	s21 =	sand.u32 $0x1C00, s21;
	v9 =	vld [tilespmem:s19+$0x7B00]  }
0x33: {  	s20 =	sor.u32 s20, s21;
	v10 =	vld [tilespmem:s19+$0x8C00]  }
0x34: {  	v12 =	vld [tilespmem:s20+$0x7800]  }
0x35: {  	v2 =	vadd.f32 v3, v2;
	v3 =	vld [tilespmem:s20+$0x7780]  }
0x36: {  	v11 =	vld [tilespmem:s19+$0x8B80]  }
0x37: {  	v13 =	vld [tilespmem:s20+$0x7880];
	v2 =	vadd.f32 v4, v2  }
0x38: {  	v14 =	vld [tilespmem:s20+$0x7900]  }
0x39: {  	v55 =	vld [tilespmem:s20+$0x7980];
	v2 =	vadd.f32 v5, v2  }
0x3a: {  	v56 =	vld [tilespmem:s20+$0x7A00];
	v3 =	vadd.f32 v12, v3  }
0x3b: {  	v57 =	vld [tilespmem:s20+$0x7A80];
	v2 =	vadd.f32 v6, v2  }
0x3c: {  	v58 =	vld [tilespmem:s20+$0x7B00];
	v3 =	vadd.f32 v13, v3  }
0x3d: {  	v59 =	vld [tilespmem:s20+$0x8B80];
	v2 =	vadd.f32 v7, v2  }
0x3e: {  	v4 =	vld [tilespmem:s19+$0x8C80];
	v3 =	vadd.f32 v14, v3  }
0x3f: {  	v5 =	vld [tilespmem:s19+$0x8D00];
	v2 =	vadd.f32 v8, v2  }
0x40: {  	v6 =	vld [tilespmem:s19+$0x8D80];
	v3 =	vadd.f32 v55, v3  }
0x41: {  	v7 =	vld [tilespmem:s19+$0x8E00];
	v2 =	vadd.f32 v9, v2  }
0x42: {  	s29 =	simm.s32 $0x20;
	s30 =	simm.s32 $0x100;
	v8 =	vld [tilespmem:s19+$0x8E80];
	v3 =	vadd.f32 v56, v3  }
0x43: {  	s21 =	sand.u32 $0x1C00, s30;
	v9 =	vld [tilespmem:s19+$0x8F00];
	s19 =	sand.u32 $0x70, s29;
	v2 =	vadd.f32 v11, v2  }
0x44: {  	s19 =	sor.u32 s19, s21;
	v11 =	vld [tilespmem:s20+$0x8C00];
	v3 =	vadd.f32 v57, v3  }
0x45: {  	v60 =	vld [tilespmem:s19+$0x7800];
	v2 =	vadd.f32 v10, v2  }
0x46: {  	v10 =	vld [tilespmem:s19+$0x7780];
	v3 =	vadd.f32 v58, v3  }
0x47: {  	v2 =	vadd.f32 v4, v2;
	v4 =	vld [tilespmem:s20+$0x8C80]  }
0x48: {  	v61 =	vld [tilespmem:s19+$0x7880];
	v3 =	vadd.f32 v59, v3  }
0x49: {  	v2 =	vadd.f32 v5, v2;
	v5 =	vld [tilespmem:s20+$0x8D00]  }
0x4a: {  	v62 =	vld [tilespmem:s19+$0x7900];
	v3 =	vadd.f32 v11, v3  }
0x4b: {  	v15 =	vld [tilespmem:s20+$0x8D80];
	v2 =	vadd.f32 v6, v2;
	v6 =	vadd.f32 v60, v10  }
0x4c: {  	v10 =	vld [tilespmem:s19+$0x7980];
	v3 =	vadd.f32 v4, v3  }
0x4d: {  	v63 =	vld [tilespmem:s19+$0x7A00];
	v2 =	vadd.f32 v7, v2;
	v6 =	vadd.f32 v61, v6  }
0x4e: {  	v11 =	vld [tilespmem:s20+$0x8E00];
	v5 =	vadd.f32 v5, v3  }
0x4f: {  	v4 =	vadd.f32 v8, v2;
	v2 =	vld [tilespmem:s20+$0x8E80];
	v7 =	vadd.f32 v62, v6  }
0x50: {  	v6 =	vld [tilespmem:s19+$0x7A80];
	v5 =	vadd.f32 v15, v5  }
0x51: {  	v3 =	vld [tilespmem:s20+$0x8F00];
	v8 =	vadd.f32 v9, v4;
	v9 =	vadd.f32 v10, v7  }
0x52: {  	s31 =	simm.s32 $0x30;
	s22 =	simm.s32 $0x180;
	v7 =	vld [tilespmem:s19+$0x7B00]  }
0x53: {  	s23 =	sand.u32 $0x1C00, s22;
	s21 =	sand.u32 $0x70, s31;
	s20 =	simm.s32 $0x9F80;
	v4 =	vld [tilespmem:s19+$0x8C00];
	v5 =	vadd.f32 v11, v5;
	v9 =	vadd.f32 v63, v9  }
0x54: {  	s21 =	sor.u32 s21, s23;
	s23 =	simm.s32 $0x40;
	[tilespmem:s20+$0x0] =	vst v8;
	v8 =	vld [tilespmem:s19+$0x8B80]  }
.LBB2_6:
0x55: {  	p0 =	sne.s32 s23, $0x270;
	v10 =	vld [tilespmem:s21+$0x7780];
	v6 =	vadd.f32 v6, v9;
	v2 =	vadd.f32 v2, v5  }
0x56: {  	v5 =	vld [tilespmem:s21+$0x7800]  }
0x57: {  	v6 =	vadd.f32 v7, v6;
	v7 =	vld [tilespmem:s19+$0x8C80];
	v2 =	vadd.f32 v3, v2  }
0x58: {  	s20 =	sadd.s32 $0x10, s20;
	v3 =	vld [tilespmem:s21+$0x7880]  }
0x59: {  	v6 =	vadd.f32 v8, v6;
	v8 =	vld [tilespmem:s19+$0x8D00];
	[tilespmem:s20+$0x0] =	vst v2  }
0x5a: {  	v2 =	vld [tilespmem:s21+$0x7900]  }
0x5b: {  	v5 =	vadd.f32 v5, v10;
	v4 =	vadd.f32 v4, v6;
	v9 =	vld [tilespmem:s19+$0x8D80]  }
0x5c: {  	v10 =	vld [tilespmem:s21+$0x7980]  }
0x5d: {  	v3 =	vadd.f32 v3, v5;
	v4 =	vadd.f32 v7, v4;
	v5 =	vld [tilespmem:s19+$0x8E00]  }
0x5e: {  	v11 =	vld [tilespmem:s21+$0x7A00]  }
0x5f: {  	v3 =	vadd.f32 v2, v3;
	v4 =	vadd.f32 v8, v4;
	v2 =	vld [tilespmem:s19+$0x8E80]  }
.Ltmp2:
0x60: {  	v6 =	vld [tilespmem:s21+$0x7A80];
	(pc) =	sbr.rel @p0 .LBB2_6-.Ltmp2, $4  }
0x61: {  	v8 =	vadd.f32 v10, v3;
	v10 =	vadd.f32 v9, v4;
	v3 =	vld [tilespmem:s19+$0x8F00];
	s19 =	smov.u32 s21  }
0x62: {  	s22 =	sadd.s32 $0x80, s22;
	v7 =	vld [tilespmem:s19+$0x7B00]  }
0x63: {  	s24 =	sand.u32 $0x1C00, s22;
	s21 =	sand.u32 $0x70, s23;
	v9 =	vadd.f32 v11, v8;
	v4 =	vld [tilespmem:s19+$0x8C00];
	v5 =	vadd.f32 v5, v10  }
0x64: {  	s23 =	sadd.s32 $0x10, s23;
	s21 =	sor.u32 s21, s24;
	v8 =	vld [tilespmem:s19+$0x8B80]  }
0x65: {  	v10 =	vld [tilespmem:s21+$0x7780]  }
0x66: {  	v11 =	vld [tilespmem:s21+$0x7800];
	_ =	sdelay $0x1  }
0x67: {  	v12 =	vld [tilespmem:s21+$0x7880];
	_ =	sdelay $0x1  }
0x68: {  	v13 =	vld [tilespmem:s21+$0x7900]  }
0x69: {  	v10 =	vadd.f32 v11, v10  }
0x6a: {  	v45 =	vld [tilespmem:s21+$0x7980]  }
0x6b: {  	v10 =	vadd.f32 v12, v10  }
0x6c: {  	v46 =	vld [tilespmem:s21+$0x7A00]  }
0x6d: {  	v10 =	vadd.f32 v13, v10  }
0x6e: {  	v47 =	vld [tilespmem:s21+$0x7A80]  }
0x6f: {  	v10 =	vadd.f32 v45, v10  }
0x70: {  	v48 =	vld [tilespmem:s21+$0x7B00]  }
0x71: {  	v10 =	vadd.f32 v46, v10  }
0x72: {  	v6 =	vadd.f32 v6, v9;
	v49 =	vld [tilespmem:s21+$0x8B80]  }
0x73: {  	v10 =	vadd.f32 v47, v10  }
0x74: {  	v50 =	vld [tilespmem:s21+$0x8C00];
	v6 =	vadd.f32 v7, v6  }
0x75: {  	v51 =	vld [tilespmem:s19+$0x8C80];
	v10 =	vadd.f32 v48, v10  }
0x76: {  	v52 =	vld [tilespmem:s21+$0x8C80];
	v6 =	vadd.f32 v8, v6  }
0x77: {  	v53 =	vld [tilespmem:s19+$0x8D00];
	v9 =	vadd.f32 v49, v10  }
0x78: {  	v54 =	vld [tilespmem:s21+$0x8D00];
	v4 =	vadd.f32 v4, v6  }
0x79: {  	v55 =	vld [tilespmem:s19+$0x8D80];
	v7 =	vadd.f32 v50, v9  }
0x7a: {  	v56 =	vld [tilespmem:s21+$0x8D80];
	v4 =	vadd.f32 v51, v4  }
0x7b: {  	v57 =	vld [tilespmem:s19+$0x8E00];
	v7 =	vadd.f32 v52, v7  }
0x7c: {  	v58 =	vld [tilespmem:s21+$0x8E00];
	v4 =	vadd.f32 v53, v4  }
0x7d: {  	v59 =	vld [tilespmem:s19+$0x8E80];
	v6 =	vadd.f32 v54, v7  }
0x7e: {  	v60 =	vld [tilespmem:s21+$0x8E80];
	v4 =	vadd.f32 v55, v4  }
0x7f: {  	v61 =	vld [tilespmem:s19+$0x8F00];
	v6 =	vadd.f32 v56, v6  }
0x80: {  	v62 =	vld [tilespmem:s21+$0x8F00];
	v4 =	vadd.f32 v57, v4  }
0x81: {  	v2 =	vadd.f32 v2, v5;
	v63 =	vadd.f32 v58, v6  }
0x82: {  	v4 =	vadd.f32 v59, v4  }
0x83: {  	v2 =	vadd.f32 v3, v2;
	v3 =	vadd.f32 v60, v63  }
0x84: {  	s31 =	sadd.s32 $0x10, s20;
	v4 =	vadd.f32 v61, v4  }
0x85: {  	s2 =	sadd.s32 $0x1, s2;
	s19 =	sadd.s32 $0x10, s31;
	[tilespmem:s31+$0x0] =	vst v2;
	v2 =	vadd.f32 v62, v3  }
0x86: {  	p0 =	sne.s32 s2, s7;
	[tilespmem:s19+$0x0] =	vst v4;
	s19 =	sadd.s32 $0x10, s19  }
.Ltmp3:
0x87: {  	[tilespmem:s19+$0x0] =	vst v2;
	(pc) =	sbr.rel @p0 .LBB2_1-.Ltmp3, $4  }
0x88: {  	[hbm4b:s6+s8] =	stream.strided.scatter [tilespmem:s18], [sflag:$0x2], $0x280, s17, s8, $0x38;
	[tilespmem:$0xA200] =	vst v63  }
0x89: {  	_ =	swait.ge [sflag:s13], $0x280  }
0x8a: {  	[sflag:s13] =	ssyncset.done $0x0  }
0x8b: {  	[sflag:s13] =	ssyncadd.s32 $0xFFFFFD80  }
0x8c: {  	_ =	sfence.sel $0x180000  }
0x8d: {  	[bflag:$0x0] =	sbarrier.arrive $0xFFFF  }
0x8e: {  	p0 =	sne.s32 s0, $0x0;
	_ =	strace $0x90000047  }
0x8f: {  	s0 =	sadd.s32 @!p0 $0x100000, s1;
	[bflag:$0x2] =	sbarrier.arrive $0xFFFF  }
0x90: {  	[sflag:s0] =	ssyncadd.tile.s32 @!p0 $0x1;
	_ =	shalt  }
.Lfunc_end2:
_tile_overlayer_lowered:
.L_overlay_start_2:
0x91: {  	(tag) =	ssettag $0x2  }
0x92: {  	s0 =	rddreg [dreg:$0x0];
	s2 =	stileid.u32  }
0x93: {  	s1 =	rddreg [dreg:$0x1];
	p0 =	sne.s32 s2, $0x0  }
0x94: {  	s3 =	rddreg [dreg:$0x2];
	[bflag:$0x3] =	sbarrier.arrive $0xFFFF;
	s2 =	simm.s32 @!p0 $0x1C01  }
0x95: {  	[timem:s3], [sflag:s2] =	dma.local @!p0 [hbm:s0], s1  }
0x96: {  	s0 =	simm.s32 @!p0 $0x1  }
0x97: {  	_ =	swait.ge @!p0 [sflag:s0], s1  }
0x98: {  	s1 =	ssub.s32 @!p0 $0x0, s1;
	[sflag:s0] =	ssyncset.done @!p0 $0x0  }
0x99: {  	[sflag:s0] =	ssyncadd.s32 @!p0 s1  }
0x9a: {  	[bflag:$0x3] =	sbarrier.arrive $0xFFFF  }
0x9b: {  	_ =	shalt  }

</sc_bundles>
